<compile_context>
chip_gen: v7x
topology: tpu7x:2x2x1
jax: 0.10.2.dev20260603
libtpu: 0.0.44.dev20260713+nightly
codegen_flags: <defaults>
</compile_context>

<pallas_src>
import functools

import jax
import jax.numpy as jnp
from jax import lax
from jax.experimental import pallas as pl
from jax.experimental.pallas import tpu as pltpu
from jax.experimental.pallas import tpu_sc as plsc

B, S = 1024, 200
VOCAB, DIM = 100000, 128
TAG_VOCAB, TAG_DIM = 60, 4
OUT_DIM = DIM + TAG_DIM + 1

_info = plsc.get_sparse_core_info()
NC, NS, L = _info.num_cores, _info.num_subcores, _info.num_lanes
NW = NC * NS

R = S * B
RPW = R // NW
C = 128
NCHUNK = RPW // C
NB = 2
NT = 2
LOOKAHEAD = 2

_mesh = plsc.VectorSubcoreMesh(core_axis_name="c", subcore_axis_name="s")


@functools.partial(
    pl.kernel,
    mesh=_mesh,
    out_type=jax.ShapeDtypeStruct((OUT_DIM, S, B), jnp.float32),
    compiler_params=pltpu.CompilerParams(needs_layout_passes=False),
    scratch_types=[
        pltpu.VMEM((RPW,), jnp.int32),
        pltpu.VMEM((RPW,), jnp.int32),
        pltpu.VMEM((RPW,), jnp.int32),
        pltpu.VMEM((NB, C, DIM), jnp.float32),
        pltpu.VMEM((NT, 136, C), jnp.float32),
        pltpu.VMEM((TAG_VOCAB * TAG_DIM,), jnp.float32),
        pltpu.SemaphoreType.DMA,
        pltpu.SemaphoreType.DMA,
        pltpu.SemaphoreType.DMA,
        pltpu.SemaphoreType.DMA,
        pltpu.SemaphoreType.DMA,
        pltpu.SemaphoreType.DMA,
    ],
)
def _extend_embedding_sc(widx_hbm, tidx_hbm, isin_hbm, wtab_hbm, ttab_hbm,
                         out_hbm, widx_v, tidx_v, isin_v, word_v, planes_v,
                         ttab_v, *sems):
    sem_g = sems[0:NB]
    sem_o = sems[NB:NB + NT]
    sem_i = sems[NB + NT]
    wid = lax.axis_index("s") * NC + lax.axis_index("c")
    slab = wid * RPW
    sem_g2 = sems[NB + NT + 1]
    pltpu.async_copy(widx_hbm.at[pl.ds(slab, RPW)], widx_v, sem_g2)
    pltpu.async_copy(ttab_hbm, ttab_v, sem_i)
    pltpu.async_copy(tidx_hbm.at[pl.ds(slab, RPW)], tidx_v, sem_i)
    pltpu.async_copy(isin_hbm.at[pl.ds(slab, RPW)], isin_v, sem_i)
    pltpu.make_async_copy(widx_hbm.at[pl.ds(slab, RPW)], widx_v, sem_g2).wait()

    def out_slice(j):
        base = slab + j * C
        s = base // B
        b0 = base % B
        return out_hbm.at[:, s, pl.ds(b0, C)]

    def gather_chunk(j, b):
        pltpu.async_copy(
            wtab_hbm.at[widx_v.at[pl.ds(j * C, C)]], word_v.at[b], sem_g[b])

    for b in range(LOOKAHEAD):
        gather_chunk(b, b)
    pltpu.make_async_copy(ttab_hbm, ttab_v, sem_i).wait()
    pltpu.make_async_copy(tidx_hbm.at[pl.ds(slab, RPW)], tidx_v, sem_i).wait()
    pltpu.make_async_copy(isin_hbm.at[pl.ds(slab, RPW)], isin_v, sem_i).wait()

    iota = lax.iota(jnp.int32, L)
    zv = jnp.zeros((L,), jnp.int32)
    viota_d = iota * DIM

    def outer(g, _):
        for b in range(NB):
            j = g * NB + b
            nt = b % NT
            pltpu.make_async_copy(
                wtab_hbm.at[widx_v.at[pl.ds(j * C, C)]], word_v.at[b],
                sem_g[b]).wait()
            @pl.when(jnp.logical_or(g > 0, b >= NT))
            def _():
                pltpu.make_async_copy(
                    planes_v.at[nt, pl.ds(0, OUT_DIM)], out_slice(j - NT),
                    sem_o[nt]).wait()

            bb = jnp.full((L,), b, jnp.int32)
            ntv = jnp.full((L,), nt, jnp.int32)

            rbase0 = b * (C * DIM)
            wbase0 = nt * (136 * C)

            @plsc.parallel_loop(0, (DIM // L) * (C // L) * L, unroll=16)
            def _(q):
                f0 = lax.shift_right_logical(q, 7)
                c0 = lax.bitwise_and(lax.shift_right_logical(q, 4), 7)
                k = lax.bitwise_and(q, L - 1)
                fb = f0 * L
                rot = lax.bitwise_and(iota + k, L - 1)
                addr_r = viota_d + (rot + (rbase0 + c0 * (L * DIM) + fb))
                addr_w = rot * C + (wbase0 + fb * C + c0 * L) + iota
                vals = plsc.load_gather(word_v, [zv, zv, addr_r])
                plsc.store_scatter(planes_v, [zv, zv, addr_w], vals)

            @plsc.parallel_loop(0, C // L, unroll=2)
            def _(c0):
                rows = c0 * L + iota
                r0 = j * C + c0 * L
                t4 = tidx_v[pl.ds(r0, L)] * TAG_DIM
                for c4 in range(TAG_DIM):
                    vals = plsc.load_gather(ttab_v, [t4 + c4])
                    plsc.store_scatter(
                        planes_v,
                        [ntv, jnp.full((L,), DIM + c4, jnp.int32), rows], vals)
                ii = isin_v[pl.ds(r0, L)].astype(jnp.float32)
                plsc.store_scatter(
                    planes_v,
                    [ntv, jnp.full((L,), DIM + TAG_DIM, jnp.int32), rows], ii)
            pltpu.async_copy(
                planes_v.at[nt, pl.ds(0, OUT_DIM)], out_slice(j), sem_o[nt])

            @pl.when(j + LOOKAHEAD < NCHUNK)
            def _():
                gather_chunk(j + LOOKAHEAD, (b + LOOKAHEAD) % NB)
        return 0

    lax.fori_loop(0, NCHUNK // NB, outer, 0)
    for j in range(NCHUNK - NT, NCHUNK):
        pltpu.make_async_copy(
            planes_v.at[j % NT, pl.ds(0, OUT_DIM)], out_slice(j),
            sem_o[j % NT]).wait()


def kernel(word_ids, tag_ids, is_in, word_table, tag_table):
    widx = jnp.swapaxes(word_ids, 0, 1).reshape(R)
    tidx = jnp.swapaxes(tag_ids, 0, 1).reshape(R)
    iidx = jnp.swapaxes(is_in, 0, 1).reshape(R)
    out = _extend_embedding_sc(widx, tidx, iidx, word_table,
                               tag_table.reshape(-1))
    return jnp.transpose(out, (1, 2, 0))

# --- scband reference (transcript-rebuilt; emitter-appended) ---
"""Pipeline reference for scband-extend-embedding-10788957847553 (READ-ONLY COPY).

The authoritative reference and input builder live on the scoring server;
editing this copy changes nothing except your own understanding.
"""

import jax, jax.numpy as jnp
import numpy as np

B, S = 1024, 200
VOCAB, DIM = 100000, 128
TAG_VOCAB, TAG_DIM = 60, 4


def setup_inputs(seed: int = 0) -> dict:
    key = jax.random.key(seed)
    k1, k2, k3, k4, k5 = jax.random.split(key, 5)
    word_ids = jax.random.randint(k1, (B, S), 0, VOCAB, dtype=jnp.int32)
    tag_ids = jax.random.randint(k2, (B, S), 0, TAG_VOCAB, dtype=jnp.int32)
    is_in = jax.random.randint(k3, (B, S), 0, 2, dtype=jnp.int32)
    word_table = jax.random.normal(k4, (VOCAB, DIM), dtype=jnp.float32)
    tag_table = jax.random.normal(k5, (TAG_VOCAB, TAG_DIM), dtype=jnp.float32)
    # nn.Embedding(padding_idx=0) zeroes the padding row at init (default-initialized table)
    tag_table = tag_table.at[0].set(0.0)
    return {
        "word_ids": word_ids,
        "tag_ids": tag_ids,
        "is_in": is_in,
        "word_table": word_table,
        "tag_table": tag_table,
    }


def reference(word_ids, tag_ids, is_in, word_table, tag_table):
    # Embedding.forward: lookup then transpose(0, 1) -> (S, B, DIM)
    word_emb = jnp.swapaxes(jnp.take(word_table, word_ids, axis=0), 0, 1)
    # tag_embedding lookup then transpose(0, 1) -> (S, B, 4)
    tag_emb = jnp.swapaxes(jnp.take(tag_table, tag_ids, axis=0), 0, 1)
    # is_in: transpose(0,1).unsqueeze(2).float() -> (S, B, 1)
    is_in_emb = jnp.swapaxes(is_in, 0, 1)[..., None].astype(jnp.float32)
    # concat along feature dim -> (S, B, DIM + 4 + 1)
    return jnp.concatenate([word_emb, tag_emb, is_in_emb], axis=2)

if __name__ == "__main__":
    import jax
    _d = setup_inputs()
    print(jax.jit(kernel)(*tuple(_d.values())))

</pallas_src>

<mosaic_0001>
#map = affine_map<(d0, d1) -> (0)>
#map1 = affine_map<(d0, d1) -> (0, 0)>
#map2 = affine_map<(d0, d1) -> (0, 0, 0)>
module attributes {stable_mosaic.version = 14 : i64} {
  func.func @_extend_embedding_sc(%arg0: i32, %arg1: i32, %arg2: memref<204800xi32, #tpu.memory_space<hbm>>, %arg3: memref<204800xi32, #tpu.memory_space<hbm>>, %arg4: memref<204800xi32, #tpu.memory_space<hbm>>, %arg5: memref<100000x128xf32, #tpu.memory_space<hbm>>, %arg6: memref<240xf32, #tpu.memory_space<hbm>>, %arg7: memref<133x200x1024xf32, #tpu.memory_space<hbm>>, %arg8: memref<6400xi32, #tpu.memory_space<vmem>>, %arg9: memref<6400xi32, #tpu.memory_space<vmem>>, %arg10: memref<6400xi32, #tpu.memory_space<vmem>>, %arg11: memref<2x128x128xf32, #tpu.memory_space<vmem>>, %arg12: memref<2x136x128xf32, #tpu.memory_space<vmem>>, %arg13: memref<240xf32, #tpu.memory_space<vmem>>, %arg14: memref<!tpu.dma_semaphore, #tpu.memory_space<semaphore_mem>>, %arg15: memref<!tpu.dma_semaphore, #tpu.memory_space<semaphore_mem>>, %arg16: memref<!tpu.dma_semaphore, #tpu.memory_space<semaphore_mem>>, %arg17: memref<!tpu.dma_semaphore, #tpu.memory_space<semaphore_mem>>, %arg18: memref<!tpu.dma_semaphore, #tpu.memory_space<semaphore_mem>>, %arg19: memref<!tpu.dma_semaphore, #tpu.memory_space<semaphore_mem>>) attributes {dimension_semantics = [#tpu.dimension_semantics<core_parallel>, #tpu.dimension_semantics<subcore_parallel>], iteration_bounds = array<i64: 2, 16>, scalar_prefetch = 0 : i64, scratch_operands = 12 : i64, tpu.core_type = #tpu.core_type<sc_vector_subcore>, window_params = [{transform_indices = #map}, {transform_indices = #map}, {transform_indices = #map}, {transform_indices = #map1}, {transform_indices = #map}, {transform_indices = #map2}]} {
    %mul3A = arith.constant 2 : i32
    %mul3A_0 = arith.muli %arg1, %mul3A : i32
    %add3A = arith.addi %mul3A_0, %arg0 : i32
    %mul3A_1 = arith.constant 6400 : i32
    %mul3A_2 = arith.muli %add3A, %mul3A_1 : i32
    %dma_start3A = tpu.memref_slice %arg2[%mul3A_2] : memref<204800xi32, #tpu.memory_space<hbm>> -> memref<6400xi32, #tpu.memory_space<hbm>>
    %dma_start3A_3 = tpu.memref_slice %arg2[%mul3A_2] : memref<204800xi32, #tpu.memory_space<hbm>> -> memref<6400xi32, #tpu.memory_space<hbm>>
    tpu.enqueue_dma source(%dma_start3A_3 : memref<6400xi32, #tpu.memory_space<hbm>>) target(%arg8 : memref<6400xi32, #tpu.memory_space<vmem>>) target_semaphore(%arg19 : memref<!tpu.dma_semaphore, #tpu.memory_space<semaphore_mem>>)
    tpu.enqueue_dma source(%arg6 : memref<240xf32, #tpu.memory_space<hbm>>) target(%arg13 : memref<240xf32, #tpu.memory_space<vmem>>) target_semaphore(%arg18 : memref<!tpu.dma_semaphore, #tpu.memory_space<semaphore_mem>>)
    %dma_start3A_4 = tpu.memref_slice %arg3[%mul3A_2] : memref<204800xi32, #tpu.memory_space<hbm>> -> memref<6400xi32, #tpu.memory_space<hbm>>
    %dma_start3A_5 = tpu.memref_slice %arg3[%mul3A_2] : memref<204800xi32, #tpu.memory_space<hbm>> -> memref<6400xi32, #tpu.memory_space<hbm>>
    tpu.enqueue_dma source(%dma_start3A_5 : memref<6400xi32, #tpu.memory_space<hbm>>) target(%arg9 : memref<6400xi32, #tpu.memory_space<vmem>>) target_semaphore(%arg18 : memref<!tpu.dma_semaphore, #tpu.memory_space<semaphore_mem>>)
    %dma_start3A_6 = tpu.memref_slice %arg4[%mul3A_2] : memref<204800xi32, #tpu.memory_space<hbm>> -> memref<6400xi32, #tpu.memory_space<hbm>>
    %dma_start3A_7 = tpu.memref_slice %arg4[%mul3A_2] : memref<204800xi32, #tpu.memory_space<hbm>> -> memref<6400xi32, #tpu.memory_space<hbm>>
    tpu.enqueue_dma source(%dma_start3A_7 : memref<6400xi32, #tpu.memory_space<hbm>>) target(%arg10 : memref<6400xi32, #tpu.memory_space<vmem>>) target_semaphore(%arg18 : memref<!tpu.dma_semaphore, #tpu.memory_space<semaphore_mem>>)
    %dma_wait3A = tpu.memref_slice %arg2[%mul3A_2] : memref<204800xi32, #tpu.memory_space<hbm>> -> memref<6400xi32, #tpu.memory_space<hbm>>
    %dma_wait3A_8 = tpu.memref_slice %arg2[%mul3A_2] : memref<204800xi32, #tpu.memory_space<hbm>> -> memref<6400xi32, #tpu.memory_space<hbm>>
    tpu.wait_dma2 semaphore(%arg19 : memref<!tpu.dma_semaphore, #tpu.memory_space<semaphore_mem>>) src(%dma_wait3A_8 : memref<6400xi32, #tpu.memory_space<hbm>>) dst(%arg8 : memref<6400xi32, #tpu.memory_space<vmem>>)
    %dma_start3A_9 = arith.constant 0 : i32
    %dma_start3A_10 = arith.constant 0 : i32
    %dma_start3A_11 = arith.constant 0 : i32
    %dma_start3A_12 = tpu.memref_slice %arg11[%dma_start3A_9, %dma_start3A_10, %dma_start3A_11] : memref<2x128x128xf32, #tpu.memory_space<vmem>> -> memref<1x128x128xf32, #tpu.memory_space<vmem>>
    %dma_start3A_13 = tpu.memref_squeeze %dma_start3A_12 : memref<1x128x128xf32, #tpu.memory_space<vmem>> -> memref<128x128xf32, #tpu.memory_space<vmem>>
    %dma_start3A_14 = arith.constant 0 : i32
    %dma_start3A_15 = tpu.memref_slice %arg8[%dma_start3A_14] : memref<6400xi32, #tpu.memory_space<vmem>> -> memref<128xi32, #tpu.memory_space<vmem>>
    %dma_start3A_16 = arith.constant 0 : i32
    %dma_start3A_17 = arith.constant 0 : i32
    %dma_start3A_18 = tpu.memref_slice %arg5[%dma_start3A_16, %dma_start3A_17] : memref<100000x128xf32, #tpu.memory_space<hbm>> -> memref<100000x128xf32, #tpu.memory_space<hbm>>
    tpu.enqueue_indirect_dma source(%dma_start3A_18 : memref<100000x128xf32, #tpu.memory_space<hbm>>) target(%dma_start3A_13 : memref<128x128xf32, #tpu.memory_space<vmem>>) offsets(%dma_start3A_15 : memref<128xi32, #tpu.memory_space<vmem>>) semaphore(%arg14 : memref<!tpu.dma_semaphore, #tpu.memory_space<semaphore_mem>>)
    %dma_start3A_19 = arith.constant 1 : i32
    %dma_start3A_20 = arith.constant 0 : i32
    %dma_start3A_21 = arith.constant 0 : i32
    %dma_start3A_22 = tpu.memref_slice %arg11[%dma_start3A_19, %dma_start3A_20, %dma_start3A_21] : memref<2x128x128xf32, #tpu.memory_space<vmem>> -> memref<1x128x128xf32, #tpu.memory_space<vmem>>
    %dma_start3A_23 = tpu.memref_squeeze %dma_start3A_22 : memref<1x128x128xf32, #tpu.memory_space<vmem>> -> memref<128x128xf32, #tpu.memory_space<vmem>>
    %dma_start3A_24 = arith.constant 128 : i32
    %dma_start3A_25 = tpu.memref_slice %arg8[%dma_start3A_24] : memref<6400xi32, #tpu.memory_space<vmem>> -> memref<128xi32, #tpu.memory_space<vmem>>
    %dma_start3A_26 = arith.constant 0 : i32
    %dma_start3A_27 = arith.constant 0 : i32
    %dma_start3A_28 = tpu.memref_slice %arg5[%dma_start3A_26, %dma_start3A_27] : memref<100000x128xf32, #tpu.memory_space<hbm>> -> memref<100000x128xf32, #tpu.memory_space<hbm>>
    tpu.enqueue_indirect_dma source(%dma_start3A_28 : memref<100000x128xf32, #tpu.memory_space<hbm>>) target(%dma_start3A_23 : memref<128x128xf32, #tpu.memory_space<vmem>>) offsets(%dma_start3A_25 : memref<128xi32, #tpu.memory_space<vmem>>) semaphore(%arg15 : memref<!tpu.dma_semaphore, #tpu.memory_space<semaphore_mem>>)
    tpu.wait_dma2 semaphore(%arg18 : memref<!tpu.dma_semaphore, #tpu.memory_space<semaphore_mem>>) src(%arg6 : memref<240xf32, #tpu.memory_space<hbm>>) dst(%arg13 : memref<240xf32, #tpu.memory_space<vmem>>)
    %dma_wait3A_29 = tpu.memref_slice %arg3[%mul3A_2] : memref<204800xi32, #tpu.memory_space<hbm>> -> memref<6400xi32, #tpu.memory_space<hbm>>
    %dma_wait3A_30 = tpu.memref_slice %arg3[%mul3A_2] : memref<204800xi32, #tpu.memory_space<hbm>> -> memref<6400xi32, #tpu.memory_space<hbm>>
    tpu.wait_dma2 semaphore(%arg18 : memref<!tpu.dma_semaphore, #tpu.memory_space<semaphore_mem>>) src(%dma_wait3A_30 : memref<6400xi32, #tpu.memory_space<hbm>>) dst(%arg9 : memref<6400xi32, #tpu.memory_space<vmem>>)
    %dma_wait3A_31 = tpu.memref_slice %arg4[%mul3A_2] : memref<204800xi32, #tpu.memory_space<hbm>> -> memref<6400xi32, #tpu.memory_space<hbm>>
    %dma_wait3A_32 = tpu.memref_slice %arg4[%mul3A_2] : memref<204800xi32, #tpu.memory_space<hbm>> -> memref<6400xi32, #tpu.memory_space<hbm>>
    tpu.wait_dma2 semaphore(%arg18 : memref<!tpu.dma_semaphore, #tpu.memory_space<semaphore_mem>>) src(%dma_wait3A_32 : memref<6400xi32, #tpu.memory_space<hbm>>) dst(%arg10 : memref<6400xi32, #tpu.memory_space<vmem>>)
    %iota3A = tpu.iota {dimensions = array<i32: 0>} : vector<16xi32>
    %broadcast_in_dim3A = arith.constant 0 : i32
    %broadcast_in_dim3A_33 = vector.broadcast %broadcast_in_dim3A : i32 to vector<16xi32>
    %mul3A_34 = arith.constant 128 : i32
    %mul3A_35 = vector.broadcast %mul3A_34 : i32 to vector<16xi32>
    %mul3A_36 = arith.muli %iota3A, %mul3A_35 : vector<16xi32>
    %scan3A = arith.constant 0 : i32
    %scan3A_37 = arith.constant 0 : i32
    %scan3A_38 = arith.constant 25 : i32
    %scan3A_39 = arith.addi %scan3A_37, %scan3A_38 : i32
    %scan3A_40 = arith.constant 1 : i32
    %scan3A_41 = scf.for %scan3A_147 = %scan3A_37 to %scan3A_39 step %scan3A_40 iter_args(%scan3A_148 = %scan3A) -> (i32)  : i32 {
      %mul3A_149 = arith.constant 2 : i32
      %mul3A_150 = arith.muli %scan3A_147, %mul3A_149 : i32
      %add3A_151 = arith.constant 0 : i32
      %add3A_152 = arith.addi %mul3A_150, %add3A_151 : i32
      %mul3A_153 = arith.constant 128 : i32
      %mul3A_154 = arith.muli %add3A_152, %mul3A_153 : i32
      %dma_wait3A_155 = arith.constant 0 : i32
      %dma_wait3A_156 = arith.constant 0 : i32
      %dma_wait3A_157 = arith.constant 0 : i32
      %dma_wait3A_158 = tpu.memref_slice %arg11[%dma_wait3A_155, %dma_wait3A_156, %dma_wait3A_157] : memref<2x128x128xf32, #tpu.memory_space<vmem>> -> memref<1x128x128xf32, #tpu.memory_space<vmem>>
      %dma_wait3A_159 = tpu.memref_squeeze %dma_wait3A_158 : memref<1x128x128xf32, #tpu.memory_space<vmem>> -> memref<128x128xf32, #tpu.memory_space<vmem>>
      %dma_wait3A_160 = tpu.memref_slice %arg8[%mul3A_154] : memref<6400xi32, #tpu.memory_space<vmem>> -> memref<128xi32, #tpu.memory_space<vmem>>
      %dma_wait3A_161 = arith.constant 0 : i32
      %dma_wait3A_162 = arith.constant 0 : i32
      %dma_wait3A_163 = tpu.memref_slice %arg5[%dma_wait3A_161, %dma_wait3A_162] : memref<100000x128xf32, #tpu.memory_space<hbm>> -> memref<100000x128xf32, #tpu.memory_space<hbm>>
      tpu.wait_indirect_dma semaphore(%arg14 : memref<!tpu.dma_semaphore, #tpu.memory_space<semaphore_mem>>) src(%dma_wait3A_163 : memref<100000x128xf32, #tpu.memory_space<hbm>>) dst(%dma_wait3A_159 : memref<128x128xf32, #tpu.memory_space<vmem>>)
      %gt3A = arith.constant 0 : i32
      %gt3A_164 = arith.cmpi sgt, %scan3A_147, %gt3A : i32
      %or3A = arith.constant false
      %or3A_165 = arith.ori %gt3A_164, %or3A : i1
      %convert_element_type3A = arith.extui %or3A_165 : i1 to i32
      %cond3A = arith.constant 0 : i32
      %cond3A_166 = arith.cmpi ne, %convert_element_type3A, %cond3A : i32
      scf.if %cond3A_166 {
        %sub3A_339 = arith.constant 2 : i32
        %sub3A_340 = arith.subi %add3A_152, %sub3A_339 : i32
        %mul3A_341 = arith.constant 128 : i32
        %mul3A_342 = arith.muli %sub3A_340, %mul3A_341 : i32
        %add3A_343 = arith.addi %mul3A_2, %mul3A_342 : i32
        %jit3A_344 = arith.constant 1024 : i32
        %div3A_345 = arith.divsi %add3A_343, %jit3A_344 : i32
        %sign3A_346 = arith.constant 0 : i32
        %sign3A_347 = arith.cmpi sgt, %add3A_343, %sign3A_346 : i32
        %sign3A_348 = arith.extui %sign3A_347 : i1 to i32
        %sign3A_349 = arith.constant 0 : i32
        %sign3A_350 = arith.cmpi slt, %add3A_343, %sign3A_349 : i32
        %sign3A_351 = arith.extui %sign3A_350 : i1 to i32
        %sign3A_352 = arith.subi %sign3A_348, %sign3A_351 : i32
        %sign3A_353 = arith.constant 0 : i32
        %sign3A_354 = arith.cmpi sgt, %jit3A_344, %sign3A_353 : i32
        %sign3A_355 = arith.extui %sign3A_354 : i1 to i32
        %sign3A_356 = arith.constant 0 : i32
        %sign3A_357 = arith.cmpi slt, %jit3A_344, %sign3A_356 : i32
        %sign3A_358 = arith.extui %sign3A_357 : i1 to i32
        %sign3A_359 = arith.subi %sign3A_355, %sign3A_358 : i32
        %ne3A_360 = arith.cmpi ne, %sign3A_352, %sign3A_359 : i32
        %rem3A_361 = arith.remsi %add3A_343, %jit3A_344 : i32
        %ne3A_362 = arith.constant 0 : i32
        %ne3A_363 = arith.cmpi ne, %rem3A_361, %ne3A_362 : i32
        %and3A_364 = arith.andi %ne3A_360, %ne3A_363 : i1
        %sub3A_365 = arith.constant 1 : i32
        %sub3A_366 = arith.subi %div3A_345, %sub3A_365 : i32
        %select_n3A_367 = arith.select %and3A_364, %sub3A_366, %div3A_345 : i32
        %jit3A_368 = arith.constant 1024 : i32
        %eq3A_369 = arith.constant 0 : i32
        %eq3A_370 = arith.cmpi eq, %jit3A_368, %eq3A_369 : i32
        %jit3A_371 = arith.constant 1 : i32
        %select_n3A_372 = arith.select %eq3A_370, %jit3A_371, %jit3A_368 : i32
        %rem3A_373 = arith.remsi %add3A_343, %select_n3A_372 : i32
        %ne3A_374 = arith.constant 0 : i32
        %ne3A_375 = arith.cmpi ne, %rem3A_373, %ne3A_374 : i32
        %lt3A_376 = arith.constant 0 : i32
        %lt3A_377 = arith.cmpi slt, %rem3A_373, %lt3A_376 : i32
        %lt3A_378 = arith.constant 0 : i32
        %lt3A_379 = arith.cmpi slt, %select_n3A_372, %lt3A_378 : i32
        %ne3A_380 = arith.xori %lt3A_377, %lt3A_379 : i1
        %and3A_381 = arith.andi %ne3A_380, %ne3A_375 : i1
        %add3A_382 = arith.addi %rem3A_373, %select_n3A_372 : i32
        %select_n3A_383 = arith.select %and3A_381, %add3A_382, %rem3A_373 : i32
        %dma_wait3A_384 = arith.constant 0 : i32
        %dma_wait3A_385 = arith.constant 0 : i32
        %dma_wait3A_386 = arith.constant 0 : i32
        %dma_wait3A_387 = tpu.memref_slice %arg12[%dma_wait3A_384, %dma_wait3A_385, %dma_wait3A_386] : memref<2x136x128xf32, #tpu.memory_space<vmem>> -> memref<1x133x128xf32, #tpu.memory_space<vmem>>
        %dma_wait3A_388 = tpu.memref_squeeze %dma_wait3A_387 : memref<1x133x128xf32, #tpu.memory_space<vmem>> -> memref<133x128xf32, #tpu.memory_space<vmem>>
        %dma_wait3A_389 = arith.constant 0 : i32
        %dma_wait3A_390 = tpu.memref_slice %arg7[%dma_wait3A_389, %select_n3A_367, %select_n3A_383] : memref<133x200x1024xf32, #tpu.memory_space<hbm>> -> memref<133x1x128xf32, #tpu.memory_space<hbm>>
        %dma_wait3A_391 = tpu.memref_squeeze %dma_wait3A_390 : memref<133x1x128xf32, #tpu.memory_space<hbm>> -> memref<133x128xf32, #tpu.memory_space<hbm>>
        %dma_wait3A_392 = arith.constant 0 : i32
        %dma_wait3A_393 = tpu.memref_slice %arg7[%dma_wait3A_392, %select_n3A_367, %select_n3A_383] : memref<133x200x1024xf32, #tpu.memory_space<hbm>> -> memref<133x1x128xf32, #tpu.memory_space<hbm>>
        %dma_wait3A_394 = tpu.memref_squeeze %dma_wait3A_393 : memref<133x1x128xf32, #tpu.memory_space<hbm>> -> memref<133x128xf32, #tpu.memory_space<hbm>>
        %dma_wait3A_395 = arith.constant 0 : i32
        %dma_wait3A_396 = arith.constant 0 : i32
        %dma_wait3A_397 = tpu.memref_slice %arg12[%dma_wait3A_384, %dma_wait3A_395, %dma_wait3A_396] : memref<2x136x128xf32, #tpu.memory_space<vmem>> -> memref<1x133x128xf32, #tpu.memory_space<vmem>>
        %dma_wait3A_398 = tpu.memref_squeeze %dma_wait3A_397 : memref<1x133x128xf32, #tpu.memory_space<vmem>> -> memref<133x128xf32, #tpu.memory_space<vmem>>
        tpu.wait_dma2 semaphore(%arg16 : memref<!tpu.dma_semaphore, #tpu.memory_space<semaphore_mem>>) src(%dma_wait3A_398 : memref<133x128xf32, #tpu.memory_space<vmem>>) dst(%dma_wait3A_394 : memref<133x128xf32, #tpu.memory_space<hbm>>)
      } else {
      }
      %broadcast_in_dim3A_167 = arith.constant 0 : i32
      %broadcast_in_dim3A_168 = vector.broadcast %broadcast_in_dim3A_167 : i32 to vector<16xi32>
      %broadcast_in_dim3A_169 = arith.constant 0 : i32
      %broadcast_in_dim3A_170 = vector.broadcast %broadcast_in_dim3A_169 : i32 to vector<16xi32>
      %parallel_loop3A = arith.constant 0 : i32
      %parallel_loop3A_171 = arith.constant 1024 : i32
      %parallel_loop3A_172 = arith.constant 1 : i32
      scf.for %parallel_loop3A_339 = %parallel_loop3A to %parallel_loop3A_171 step %parallel_loop3A_172  : i32 {
        %parallel_loop3A_340 = arith.constant 7 : i32
        %parallel_loop3A_341 = arith.shrui %parallel_loop3A_339, %parallel_loop3A_340 : i32
        %parallel_loop3A_342 = arith.constant 4 : i32
        %parallel_loop3A_343 = arith.shrui %parallel_loop3A_339, %parallel_loop3A_342 : i32
        %parallel_loop3A_344 = arith.constant 7 : i32
        %parallel_loop3A_345 = arith.andi %parallel_loop3A_343, %parallel_loop3A_344 : i32
        %parallel_loop3A_346 = arith.constant 15 : i32
        %parallel_loop3A_347 = arith.andi %parallel_loop3A_339, %parallel_loop3A_346 : i32
        %parallel_loop3A_348 = arith.constant 16 : i32
        %parallel_loop3A_349 = arith.muli %parallel_loop3A_341, %parallel_loop3A_348 : i32
        %parallel_loop3A_350 = vector.broadcast %parallel_loop3A_347 : i32 to vector<16xi32>
        %parallel_loop3A_351 = arith.addi %iota3A, %parallel_loop3A_350 : vector<16xi32>
        %parallel_loop3A_352 = arith.constant 15 : i32
        %parallel_loop3A_353 = vector.broadcast %parallel_loop3A_352 : i32 to vector<16xi32>
        %parallel_loop3A_354 = arith.andi %parallel_loop3A_351, %parallel_loop3A_353 : vector<16xi32>
        %parallel_loop3A_355 = arith.constant 2048 : i32
        %parallel_loop3A_356 = arith.muli %parallel_loop3A_345, %parallel_loop3A_355 : i32
        %parallel_loop3A_357 = arith.constant 0 : i32
        %parallel_loop3A_358 = arith.addi %parallel_loop3A_357, %parallel_loop3A_356 : i32
        %parallel_loop3A_359 = arith.addi %parallel_loop3A_358, %parallel_loop3A_349 : i32
        %parallel_loop3A_360 = vector.broadcast %parallel_loop3A_359 : i32 to vector<16xi32>
        %parallel_loop3A_361 = arith.addi %parallel_loop3A_354, %parallel_loop3A_360 : vector<16xi32>
        %parallel_loop3A_362 = arith.addi %mul3A_36, %parallel_loop3A_361 : vector<16xi32>
        %parallel_loop3A_363 = arith.constant 128 : i32
        %parallel_loop3A_364 = vector.broadcast %parallel_loop3A_363 : i32 to vector<16xi32>
        %parallel_loop3A_365 = arith.muli %parallel_loop3A_354, %parallel_loop3A_364 : vector<16xi32>
        %parallel_loop3A_366 = arith.constant 128 : i32
        %parallel_loop3A_367 = arith.muli %parallel_loop3A_349, %parallel_loop3A_366 : i32
        %parallel_loop3A_368 = arith.constant 0 : i32
        %parallel_loop3A_369 = arith.addi %parallel_loop3A_368, %parallel_loop3A_367 : i32
        %parallel_loop3A_370 = arith.constant 16 : i32
        %parallel_loop3A_371 = arith.muli %parallel_loop3A_345, %parallel_loop3A_370 : i32
        %parallel_loop3A_372 = arith.addi %parallel_loop3A_369, %parallel_loop3A_371 : i32
        %parallel_loop3A_373 = vector.broadcast %parallel_loop3A_372 : i32 to vector<16xi32>
        %parallel_loop3A_374 = arith.addi %parallel_loop3A_365, %parallel_loop3A_373 : vector<16xi32>
        %parallel_loop3A_375 = arith.addi %parallel_loop3A_374, %iota3A : vector<16xi32>
        %parallel_loop3A_376 = tpu.vector_load_idx %arg11[%broadcast_in_dim3A_33, %broadcast_in_dim3A_33, %parallel_loop3A_362] : memref<2x128x128xf32, #tpu.memory_space<vmem>>[vector<16xi32>, vector<16xi32>, vector<16xi32>], vector<16xf32>,
        tpu.vector_store_idx %arg12[%broadcast_in_dim3A_33, %broadcast_in_dim3A_33, %parallel_loop3A_375], %parallel_loop3A_376 : memref<2x136x128xf32, #tpu.memory_space<vmem>>[vector<16xi32>, vector<16xi32>, vector<16xi32>], vector<16xf32>,
      } {sc.loop_unroll_factor = 16 : i64, sc.parallel_access}
      %parallel_loop3A_173 = arith.constant 0 : i32
      %parallel_loop3A_174 = arith.constant 8 : i32
      %parallel_loop3A_175 = arith.constant 1 : i32
      scf.for %parallel_loop3A_339 = %parallel_loop3A_173 to %parallel_loop3A_174 step %parallel_loop3A_175  : i32 {
        %parallel_loop3A_340 = arith.constant 16 : i32
        %parallel_loop3A_341 = arith.muli %parallel_loop3A_339, %parallel_loop3A_340 : i32
        %parallel_loop3A_342 = vector.broadcast %parallel_loop3A_341 : i32 to vector<16xi32>
        %parallel_loop3A_343 = arith.addi %parallel_loop3A_342, %iota3A : vector<16xi32>
        %parallel_loop3A_344 = arith.constant 128 : i32
        %parallel_loop3A_345 = arith.muli %add3A_152, %parallel_loop3A_344 : i32
        %parallel_loop3A_346 = arith.constant 16 : i32
        %parallel_loop3A_347 = arith.muli %parallel_loop3A_339, %parallel_loop3A_346 : i32
        %parallel_loop3A_348 = arith.addi %parallel_loop3A_345, %parallel_loop3A_347 : i32
        %parallel_loop3A_349 = arith.index_cast %parallel_loop3A_348 : i32 to index
        %parallel_loop3A_350 = tpu.vector_load %arg9[%parallel_loop3A_349] {strides = array<i32>} : memref<6400xi32, #tpu.memory_space<vmem>>, vector<16xi32>,
        %parallel_loop3A_351 = arith.constant 4 : i32
        %parallel_loop3A_352 = vector.broadcast %parallel_loop3A_351 : i32 to vector<16xi32>
        %parallel_loop3A_353 = arith.muli %parallel_loop3A_350, %parallel_loop3A_352 : vector<16xi32>
        %parallel_loop3A_354 = arith.constant 0 : i32
        %parallel_loop3A_355 = vector.broadcast %parallel_loop3A_354 : i32 to vector<16xi32>
        %parallel_loop3A_356 = arith.addi %parallel_loop3A_353, %parallel_loop3A_355 : vector<16xi32>
        %parallel_loop3A_357 = tpu.vector_load_idx %arg13[%parallel_loop3A_356] : memref<240xf32, #tpu.memory_space<vmem>>[vector<16xi32>], vector<16xf32>,
        %parallel_loop3A_358 = arith.constant 128 : i32
        %parallel_loop3A_359 = vector.broadcast %parallel_loop3A_358 : i32 to vector<16xi32>
        tpu.vector_store_idx %arg12[%broadcast_in_dim3A_170, %parallel_loop3A_359, %parallel_loop3A_343], %parallel_loop3A_357 : memref<2x136x128xf32, #tpu.memory_space<vmem>>[vector<16xi32>, vector<16xi32>, vector<16xi32>], vector<16xf32>,
        %parallel_loop3A_360 = arith.constant 1 : i32
        %parallel_loop3A_361 = vector.broadcast %parallel_loop3A_360 : i32 to vector<16xi32>
        %parallel_loop3A_362 = arith.addi %parallel_loop3A_353, %parallel_loop3A_361 : vector<16xi32>
        %parallel_loop3A_363 = tpu.vector_load_idx %arg13[%parallel_loop3A_362] : memref<240xf32, #tpu.memory_space<vmem>>[vector<16xi32>], vector<16xf32>,
        %parallel_loop3A_364 = arith.constant 129 : i32
        %parallel_loop3A_365 = vector.broadcast %parallel_loop3A_364 : i32 to vector<16xi32>
        tpu.vector_store_idx %arg12[%broadcast_in_dim3A_170, %parallel_loop3A_365, %parallel_loop3A_343], %parallel_loop3A_363 : memref<2x136x128xf32, #tpu.memory_space<vmem>>[vector<16xi32>, vector<16xi32>, vector<16xi32>], vector<16xf32>,
        %parallel_loop3A_366 = arith.constant 2 : i32
        %parallel_loop3A_367 = vector.broadcast %parallel_loop3A_366 : i32 to vector<16xi32>
        %parallel_loop3A_368 = arith.addi %parallel_loop3A_353, %parallel_loop3A_367 : vector<16xi32>
        %parallel_loop3A_369 = tpu.vector_load_idx %arg13[%parallel_loop3A_368] : memref<240xf32, #tpu.memory_space<vmem>>[vector<16xi32>], vector<16xf32>,
        %parallel_loop3A_370 = arith.constant 130 : i32
        %parallel_loop3A_371 = vector.broadcast %parallel_loop3A_370 : i32 to vector<16xi32>
        tpu.vector_store_idx %arg12[%broadcast_in_dim3A_170, %parallel_loop3A_371, %parallel_loop3A_343], %parallel_loop3A_369 : memref<2x136x128xf32, #tpu.memory_space<vmem>>[vector<16xi32>, vector<16xi32>, vector<16xi32>], vector<16xf32>,
        %parallel_loop3A_372 = arith.constant 3 : i32
        %parallel_loop3A_373 = vector.broadcast %parallel_loop3A_372 : i32 to vector<16xi32>
        %parallel_loop3A_374 = arith.addi %parallel_loop3A_353, %parallel_loop3A_373 : vector<16xi32>
        %parallel_loop3A_375 = tpu.vector_load_idx %arg13[%parallel_loop3A_374] : memref<240xf32, #tpu.memory_space<vmem>>[vector<16xi32>], vector<16xf32>,
        %parallel_loop3A_376 = arith.constant 131 : i32
        %parallel_loop3A_377 = vector.broadcast %parallel_loop3A_376 : i32 to vector<16xi32>
        tpu.vector_store_idx %arg12[%broadcast_in_dim3A_170, %parallel_loop3A_377, %parallel_loop3A_343], %parallel_loop3A_375 : memref<2x136x128xf32, #tpu.memory_space<vmem>>[vector<16xi32>, vector<16xi32>, vector<16xi32>], vector<16xf32>,
        %parallel_loop3A_378 = arith.index_cast %parallel_loop3A_348 : i32 to index
        %parallel_loop3A_379 = tpu.vector_load %arg10[%parallel_loop3A_378] {strides = array<i32>} : memref<6400xi32, #tpu.memory_space<vmem>>, vector<16xi32>,
        %parallel_loop3A_380 = arith.sitofp %parallel_loop3A_379 : vector<16xi32> to vector<16xf32>
        %parallel_loop3A_381 = arith.constant 132 : i32
        %parallel_loop3A_382 = vector.broadcast %parallel_loop3A_381 : i32 to vector<16xi32>
        tpu.vector_store_idx %arg12[%broadcast_in_dim3A_170, %parallel_loop3A_382, %parallel_loop3A_343], %parallel_loop3A_380 : memref<2x136x128xf32, #tpu.memory_space<vmem>>[vector<16xi32>, vector<16xi32>, vector<16xi32>], vector<16xf32>,
      } {sc.loop_unroll_factor = 2 : i64, sc.parallel_access}
      %mul3A_176 = arith.constant 128 : i32
      %mul3A_177 = arith.muli %add3A_152, %mul3A_176 : i32
      %add3A_178 = arith.addi %mul3A_2, %mul3A_177 : i32
      %jit3A_179 = arith.constant 1024 : i32
      %div3A_180 = arith.divsi %add3A_178, %jit3A_179 : i32
      %sign3A_181 = arith.constant 0 : i32
      %sign3A_182 = arith.cmpi sgt, %add3A_178, %sign3A_181 : i32
      %sign3A_183 = arith.extui %sign3A_182 : i1 to i32
      %sign3A_184 = arith.constant 0 : i32
      %sign3A_185 = arith.cmpi slt, %add3A_178, %sign3A_184 : i32
      %sign3A_186 = arith.extui %sign3A_185 : i1 to i32
      %sign3A_187 = arith.subi %sign3A_183, %sign3A_186 : i32
      %sign3A_188 = arith.constant 0 : i32
      %sign3A_189 = arith.cmpi sgt, %jit3A_179, %sign3A_188 : i32
      %sign3A_190 = arith.extui %sign3A_189 : i1 to i32
      %sign3A_191 = arith.constant 0 : i32
      %sign3A_192 = arith.cmpi slt, %jit3A_179, %sign3A_191 : i32
      %sign3A_193 = arith.extui %sign3A_192 : i1 to i32
      %sign3A_194 = arith.subi %sign3A_190, %sign3A_193 : i32
      %ne3A_195 = arith.cmpi ne, %sign3A_187, %sign3A_194 : i32
      %rem3A_196 = arith.remsi %add3A_178, %jit3A_179 : i32
      %ne3A_197 = arith.constant 0 : i32
      %ne3A_198 = arith.cmpi ne, %rem3A_196, %ne3A_197 : i32
      %and3A_199 = arith.andi %ne3A_195, %ne3A_198 : i1
      %sub3A_200 = arith.constant 1 : i32
      %sub3A_201 = arith.subi %div3A_180, %sub3A_200 : i32
      %select_n3A_202 = arith.select %and3A_199, %sub3A_201, %div3A_180 : i32
      %jit3A_203 = arith.constant 1024 : i32
      %eq3A_204 = arith.constant 0 : i32
      %eq3A_205 = arith.cmpi eq, %jit3A_203, %eq3A_204 : i32
      %jit3A_206 = arith.constant 1 : i32
      %select_n3A_207 = arith.select %eq3A_205, %jit3A_206, %jit3A_203 : i32
      %rem3A_208 = arith.remsi %add3A_178, %select_n3A_207 : i32
      %ne3A_209 = arith.constant 0 : i32
      %ne3A_210 = arith.cmpi ne, %rem3A_208, %ne3A_209 : i32
      %lt3A_211 = arith.constant 0 : i32
      %lt3A_212 = arith.cmpi slt, %rem3A_208, %lt3A_211 : i32
      %lt3A_213 = arith.constant 0 : i32
      %lt3A_214 = arith.cmpi slt, %select_n3A_207, %lt3A_213 : i32
      %ne3A_215 = arith.xori %lt3A_212, %lt3A_214 : i1
      %and3A_216 = arith.andi %ne3A_215, %ne3A_210 : i1
      %add3A_217 = arith.addi %rem3A_208, %select_n3A_207 : i32
      %select_n3A_218 = arith.select %and3A_216, %add3A_217, %rem3A_208 : i32
      %dma_start3A_219 = arith.constant 0 : i32
      %dma_start3A_220 = arith.constant 0 : i32
      %dma_start3A_221 = arith.constant 0 : i32
      %dma_start3A_222 = tpu.memref_slice %arg12[%dma_start3A_219, %dma_start3A_220, %dma_start3A_221] : memref<2x136x128xf32, #tpu.memory_space<vmem>> -> memref<1x133x128xf32, #tpu.memory_space<vmem>>
      %dma_start3A_223 = tpu.memref_squeeze %dma_start3A_222 : memref<1x133x128xf32, #tpu.memory_space<vmem>> -> memref<133x128xf32, #tpu.memory_space<vmem>>
      %dma_start3A_224 = arith.constant 0 : i32
      %dma_start3A_225 = tpu.memref_slice %arg7[%dma_start3A_224, %select_n3A_202, %select_n3A_218] : memref<133x200x1024xf32, #tpu.memory_space<hbm>> -> memref<133x1x128xf32, #tpu.memory_space<hbm>>
      %dma_start3A_226 = tpu.memref_squeeze %dma_start3A_225 : memref<133x1x128xf32, #tpu.memory_space<hbm>> -> memref<133x128xf32, #tpu.memory_space<hbm>>
      %dma_start3A_227 = arith.constant 0 : i32
      %dma_start3A_228 = tpu.memref_slice %arg7[%dma_start3A_227, %select_n3A_202, %select_n3A_218] : memref<133x200x1024xf32, #tpu.memory_space<hbm>> -> memref<133x1x128xf32, #tpu.memory_space<hbm>>
      %dma_start3A_229 = tpu.memref_squeeze %dma_start3A_228 : memref<133x1x128xf32, #tpu.memory_space<hbm>> -> memref<133x128xf32, #tpu.memory_space<hbm>>
      %dma_start3A_230 = arith.constant 0 : i32
      %dma_start3A_231 = arith.constant 0 : i32
      %dma_start3A_232 = tpu.memref_slice %arg12[%dma_start3A_219, %dma_start3A_230, %dma_start3A_231] : memref<2x136x128xf32, #tpu.memory_space<vmem>> -> memref<1x133x128xf32, #tpu.memory_space<vmem>>
      %dma_start3A_233 = tpu.memref_squeeze %dma_start3A_232 : memref<1x133x128xf32, #tpu.memory_space<vmem>> -> memref<133x128xf32, #tpu.memory_space<vmem>>
      tpu.enqueue_dma source(%dma_start3A_233 : memref<133x128xf32, #tpu.memory_space<vmem>>) target(%dma_start3A_229 : memref<133x128xf32, #tpu.memory_space<hbm>>) target_semaphore(%arg16 : memref<!tpu.dma_semaphore, #tpu.memory_space<semaphore_mem>>)
      %add3A_234 = arith.constant 2 : i32
      %add3A_235 = arith.addi %add3A_152, %add3A_234 : i32
      %lt3A_236 = arith.constant 50 : i32
      %lt3A_237 = arith.cmpi slt, %add3A_235, %lt3A_236 : i32
      %convert_element_type3A_238 = arith.extui %lt3A_237 : i1 to i32
      %cond3A_239 = arith.constant 0 : i32
      %cond3A_240 = arith.cmpi ne, %convert_element_type3A_238, %cond3A_239 : i32
      scf.if %cond3A_240 {
        %add3A_339 = arith.constant 2 : i32
        %add3A_340 = arith.addi %add3A_152, %add3A_339 : i32
        %mul3A_341 = arith.constant 128 : i32
        %mul3A_342 = arith.muli %add3A_340, %mul3A_341 : i32
        %dma_start3A_343 = arith.constant 0 : i32
        %dma_start3A_344 = arith.constant 0 : i32
        %dma_start3A_345 = arith.constant 0 : i32
        %dma_start3A_346 = tpu.memref_slice %arg11[%dma_start3A_343, %dma_start3A_344, %dma_start3A_345] : memref<2x128x128xf32, #tpu.memory_space<vmem>> -> memref<1x128x128xf32, #tpu.memory_space<vmem>>
        %dma_start3A_347 = tpu.memref_squeeze %dma_start3A_346 : memref<1x128x128xf32, #tpu.memory_space<vmem>> -> memref<128x128xf32, #tpu.memory_space<vmem>>
        %dma_start3A_348 = tpu.memref_slice %arg8[%mul3A_342] : memref<6400xi32, #tpu.memory_space<vmem>> -> memref<128xi32, #tpu.memory_space<vmem>>
        %dma_start3A_349 = arith.constant 0 : i32
        %dma_start3A_350 = arith.constant 0 : i32
        %dma_start3A_351 = tpu.memref_slice %arg5[%dma_start3A_349, %dma_start3A_350] : memref<100000x128xf32, #tpu.memory_space<hbm>> -> memref<100000x128xf32, #tpu.memory_space<hbm>>
        tpu.enqueue_indirect_dma source(%dma_start3A_351 : memref<100000x128xf32, #tpu.memory_space<hbm>>) target(%dma_start3A_347 : memref<128x128xf32, #tpu.memory_space<vmem>>) offsets(%dma_start3A_348 : memref<128xi32, #tpu.memory_space<vmem>>) semaphore(%arg14 : memref<!tpu.dma_semaphore, #tpu.memory_space<semaphore_mem>>)
      } else {
      }
      %mul3A_241 = arith.constant 2 : i32
      %mul3A_242 = arith.muli %scan3A_147, %mul3A_241 : i32
      %add3A_243 = arith.constant 1 : i32
      %add3A_244 = arith.addi %mul3A_242, %add3A_243 : i32
      %mul3A_245 = arith.constant 128 : i32
      %mul3A_246 = arith.muli %add3A_244, %mul3A_245 : i32
      %dma_wait3A_247 = arith.constant 1 : i32
      %dma_wait3A_248 = arith.constant 0 : i32
      %dma_wait3A_249 = arith.constant 0 : i32
      %dma_wait3A_250 = tpu.memref_slice %arg11[%dma_wait3A_247, %dma_wait3A_248, %dma_wait3A_249] : memref<2x128x128xf32, #tpu.memory_space<vmem>> -> memref<1x128x128xf32, #tpu.memory_space<vmem>>
      %dma_wait3A_251 = tpu.memref_squeeze %dma_wait3A_250 : memref<1x128x128xf32, #tpu.memory_space<vmem>> -> memref<128x128xf32, #tpu.memory_space<vmem>>
      %dma_wait3A_252 = tpu.memref_slice %arg8[%mul3A_246] : memref<6400xi32, #tpu.memory_space<vmem>> -> memref<128xi32, #tpu.memory_space<vmem>>
      %dma_wait3A_253 = arith.constant 0 : i32
      %dma_wait3A_254 = arith.constant 0 : i32
      %dma_wait3A_255 = tpu.memref_slice %arg5[%dma_wait3A_253, %dma_wait3A_254] : memref<100000x128xf32, #tpu.memory_space<hbm>> -> memref<100000x128xf32, #tpu.memory_space<hbm>>
      tpu.wait_indirect_dma semaphore(%arg15 : memref<!tpu.dma_semaphore, #tpu.memory_space<semaphore_mem>>) src(%dma_wait3A_255 : memref<100000x128xf32, #tpu.memory_space<hbm>>) dst(%dma_wait3A_251 : memref<128x128xf32, #tpu.memory_space<vmem>>)
      %gt3A_256 = arith.constant 0 : i32
      %gt3A_257 = arith.cmpi sgt, %scan3A_147, %gt3A_256 : i32
      %or3A_258 = arith.constant false
      %or3A_259 = arith.ori %gt3A_257, %or3A_258 : i1
      %convert_element_type3A_260 = arith.extui %or3A_259 : i1 to i32
      %cond3A_261 = arith.constant 0 : i32
      %cond3A_262 = arith.cmpi ne, %convert_element_type3A_260, %cond3A_261 : i32
      scf.if %cond3A_262 {
        %sub3A_339 = arith.constant 2 : i32
        %sub3A_340 = arith.subi %add3A_244, %sub3A_339 : i32
        %mul3A_341 = arith.constant 128 : i32
        %mul3A_342 = arith.muli %sub3A_340, %mul3A_341 : i32
        %add3A_343 = arith.addi %mul3A_2, %mul3A_342 : i32
        %jit3A_344 = arith.constant 1024 : i32
        %div3A_345 = arith.divsi %add3A_343, %jit3A_344 : i32
        %sign3A_346 = arith.constant 0 : i32
        %sign3A_347 = arith.cmpi sgt, %add3A_343, %sign3A_346 : i32
        %sign3A_348 = arith.extui %sign3A_347 : i1 to i32
        %sign3A_349 = arith.constant 0 : i32
        %sign3A_350 = arith.cmpi slt, %add3A_343, %sign3A_349 : i32
        %sign3A_351 = arith.extui %sign3A_350 : i1 to i32
        %sign3A_352 = arith.subi %sign3A_348, %sign3A_351 : i32
        %sign3A_353 = arith.constant 0 : i32
        %sign3A_354 = arith.cmpi sgt, %jit3A_344, %sign3A_353 : i32
        %sign3A_355 = arith.extui %sign3A_354 : i1 to i32
        %sign3A_356 = arith.constant 0 : i32
        %sign3A_357 = arith.cmpi slt, %jit3A_344, %sign3A_356 : i32
        %sign3A_358 = arith.extui %sign3A_357 : i1 to i32
        %sign3A_359 = arith.subi %sign3A_355, %sign3A_358 : i32
        %ne3A_360 = arith.cmpi ne, %sign3A_352, %sign3A_359 : i32
        %rem3A_361 = arith.remsi %add3A_343, %jit3A_344 : i32
        %ne3A_362 = arith.constant 0 : i32
        %ne3A_363 = arith.cmpi ne, %rem3A_361, %ne3A_362 : i32
        %and3A_364 = arith.andi %ne3A_360, %ne3A_363 : i1
        %sub3A_365 = arith.constant 1 : i32
        %sub3A_366 = arith.subi %div3A_345, %sub3A_365 : i32
        %select_n3A_367 = arith.select %and3A_364, %sub3A_366, %div3A_345 : i32
        %jit3A_368 = arith.constant 1024 : i32
        %eq3A_369 = arith.constant 0 : i32
        %eq3A_370 = arith.cmpi eq, %jit3A_368, %eq3A_369 : i32
        %jit3A_371 = arith.constant 1 : i32
        %select_n3A_372 = arith.select %eq3A_370, %jit3A_371, %jit3A_368 : i32
        %rem3A_373 = arith.remsi %add3A_343, %select_n3A_372 : i32
        %ne3A_374 = arith.constant 0 : i32
        %ne3A_375 = arith.cmpi ne, %rem3A_373, %ne3A_374 : i32
        %lt3A_376 = arith.constant 0 : i32
        %lt3A_377 = arith.cmpi slt, %rem3A_373, %lt3A_376 : i32
        %lt3A_378 = arith.constant 0 : i32
        %lt3A_379 = arith.cmpi slt, %select_n3A_372, %lt3A_378 : i32
        %ne3A_380 = arith.xori %lt3A_377, %lt3A_379 : i1
        %and3A_381 = arith.andi %ne3A_380, %ne3A_375 : i1
        %add3A_382 = arith.addi %rem3A_373, %select_n3A_372 : i32
        %select_n3A_383 = arith.select %and3A_381, %add3A_382, %rem3A_373 : i32
        %dma_wait3A_384 = arith.constant 1 : i32
        %dma_wait3A_385 = arith.constant 0 : i32
        %dma_wait3A_386 = arith.constant 0 : i32
        %dma_wait3A_387 = tpu.memref_slice %arg12[%dma_wait3A_384, %dma_wait3A_385, %dma_wait3A_386] : memref<2x136x128xf32, #tpu.memory_space<vmem>> -> memref<1x133x128xf32, #tpu.memory_space<vmem>>
        %dma_wait3A_388 = tpu.memref_squeeze %dma_wait3A_387 : memref<1x133x128xf32, #tpu.memory_space<vmem>> -> memref<133x128xf32, #tpu.memory_space<vmem>>
        %dma_wait3A_389 = arith.constant 0 : i32
        %dma_wait3A_390 = tpu.memref_slice %arg7[%dma_wait3A_389, %select_n3A_367, %select_n3A_383] : memref<133x200x1024xf32, #tpu.memory_space<hbm>> -> memref<133x1x128xf32, #tpu.memory_space<hbm>>
        %dma_wait3A_391 = tpu.memref_squeeze %dma_wait3A_390 : memref<133x1x128xf32, #tpu.memory_space<hbm>> -> memref<133x128xf32, #tpu.memory_space<hbm>>
        %dma_wait3A_392 = arith.constant 0 : i32
        %dma_wait3A_393 = tpu.memref_slice %arg7[%dma_wait3A_392, %select_n3A_367, %select_n3A_383] : memref<133x200x1024xf32, #tpu.memory_space<hbm>> -> memref<133x1x128xf32, #tpu.memory_space<hbm>>
        %dma_wait3A_394 = tpu.memref_squeeze %dma_wait3A_393 : memref<133x1x128xf32, #tpu.memory_space<hbm>> -> memref<133x128xf32, #tpu.memory_space<hbm>>
        %dma_wait3A_395 = arith.constant 0 : i32
        %dma_wait3A_396 = arith.constant 0 : i32
        %dma_wait3A_397 = tpu.memref_slice %arg12[%dma_wait3A_384, %dma_wait3A_395, %dma_wait3A_396] : memref<2x136x128xf32, #tpu.memory_space<vmem>> -> memref<1x133x128xf32, #tpu.memory_space<vmem>>
        %dma_wait3A_398 = tpu.memref_squeeze %dma_wait3A_397 : memref<1x133x128xf32, #tpu.memory_space<vmem>> -> memref<133x128xf32, #tpu.memory_space<vmem>>
        tpu.wait_dma2 semaphore(%arg17 : memref<!tpu.dma_semaphore, #tpu.memory_space<semaphore_mem>>) src(%dma_wait3A_398 : memref<133x128xf32, #tpu.memory_space<vmem>>) dst(%dma_wait3A_394 : memref<133x128xf32, #tpu.memory_space<hbm>>)
      } else {
      }
      %broadcast_in_dim3A_263 = arith.constant 1 : i32
      %broadcast_in_dim3A_264 = vector.broadcast %broadcast_in_dim3A_263 : i32 to vector<16xi32>
      %broadcast_in_dim3A_265 = arith.constant 1 : i32
      %broadcast_in_dim3A_266 = vector.broadcast %broadcast_in_dim3A_265 : i32 to vector<16xi32>
      %parallel_loop3A_267 = arith.constant 0 : i32
      %parallel_loop3A_268 = arith.constant 1024 : i32
      %parallel_loop3A_269 = arith.constant 1 : i32
      scf.for %parallel_loop3A_339 = %parallel_loop3A_267 to %parallel_loop3A_268 step %parallel_loop3A_269  : i32 {
        %parallel_loop3A_340 = arith.constant 7 : i32
        %parallel_loop3A_341 = arith.shrui %parallel_loop3A_339, %parallel_loop3A_340 : i32
        %parallel_loop3A_342 = arith.constant 4 : i32
        %parallel_loop3A_343 = arith.shrui %parallel_loop3A_339, %parallel_loop3A_342 : i32
        %parallel_loop3A_344 = arith.constant 7 : i32
        %parallel_loop3A_345 = arith.andi %parallel_loop3A_343, %parallel_loop3A_344 : i32
        %parallel_loop3A_346 = arith.constant 15 : i32
        %parallel_loop3A_347 = arith.andi %parallel_loop3A_339, %parallel_loop3A_346 : i32
        %parallel_loop3A_348 = arith.constant 16 : i32
        %parallel_loop3A_349 = arith.muli %parallel_loop3A_341, %parallel_loop3A_348 : i32
        %parallel_loop3A_350 = vector.broadcast %parallel_loop3A_347 : i32 to vector<16xi32>
        %parallel_loop3A_351 = arith.addi %iota3A, %parallel_loop3A_350 : vector<16xi32>
        %parallel_loop3A_352 = arith.constant 15 : i32
        %parallel_loop3A_353 = vector.broadcast %parallel_loop3A_352 : i32 to vector<16xi32>
        %parallel_loop3A_354 = arith.andi %parallel_loop3A_351, %parallel_loop3A_353 : vector<16xi32>
        %parallel_loop3A_355 = arith.constant 2048 : i32
        %parallel_loop3A_356 = arith.muli %parallel_loop3A_345, %parallel_loop3A_355 : i32
        %parallel_loop3A_357 = arith.constant 16384 : i32
        %parallel_loop3A_358 = arith.addi %parallel_loop3A_357, %parallel_loop3A_356 : i32
        %parallel_loop3A_359 = arith.addi %parallel_loop3A_358, %parallel_loop3A_349 : i32
        %parallel_loop3A_360 = vector.broadcast %parallel_loop3A_359 : i32 to vector<16xi32>
        %parallel_loop3A_361 = arith.addi %parallel_loop3A_354, %parallel_loop3A_360 : vector<16xi32>
        %parallel_loop3A_362 = arith.addi %mul3A_36, %parallel_loop3A_361 : vector<16xi32>
        %parallel_loop3A_363 = arith.constant 128 : i32
        %parallel_loop3A_364 = vector.broadcast %parallel_loop3A_363 : i32 to vector<16xi32>
        %parallel_loop3A_365 = arith.muli %parallel_loop3A_354, %parallel_loop3A_364 : vector<16xi32>
        %parallel_loop3A_366 = arith.constant 128 : i32
        %parallel_loop3A_367 = arith.muli %parallel_loop3A_349, %parallel_loop3A_366 : i32
        %parallel_loop3A_368 = arith.constant 17408 : i32
        %parallel_loop3A_369 = arith.addi %parallel_loop3A_368, %parallel_loop3A_367 : i32
        %parallel_loop3A_370 = arith.constant 16 : i32
        %parallel_loop3A_371 = arith.muli %parallel_loop3A_345, %parallel_loop3A_370 : i32
        %parallel_loop3A_372 = arith.addi %parallel_loop3A_369, %parallel_loop3A_371 : i32
        %parallel_loop3A_373 = vector.broadcast %parallel_loop3A_372 : i32 to vector<16xi32>
        %parallel_loop3A_374 = arith.addi %parallel_loop3A_365, %parallel_loop3A_373 : vector<16xi32>
        %parallel_loop3A_375 = arith.addi %parallel_loop3A_374, %iota3A : vector<16xi32>
        %parallel_loop3A_376 = tpu.vector_load_idx %arg11[%broadcast_in_dim3A_33, %broadcast_in_dim3A_33, %parallel_loop3A_362] : memref<2x128x128xf32, #tpu.memory_space<vmem>>[vector<16xi32>, vector<16xi32>, vector<16xi32>], vector<16xf32>,
        tpu.vector_store_idx %arg12[%broadcast_in_dim3A_33, %broadcast_in_dim3A_33, %parallel_loop3A_375], %parallel_loop3A_376 : memref<2x136x128xf32, #tpu.memory_space<vmem>>[vector<16xi32>, vector<16xi32>, vector<16xi32>], vector<16xf32>,
      } {sc.loop_unroll_factor = 16 : i64, sc.parallel_access}
      %parallel_loop3A_270 = arith.constant 0 : i32
      %parallel_loop3A_271 = arith.constant 8 : i32
      %parallel_loop3A_272 = arith.constant 1 : i32
      scf.for %parallel_loop3A_339 = %parallel_loop3A_270 to %parallel_loop3A_271 step %parallel_loop3A_272  : i32 {
        %parallel_loop3A_340 = arith.constant 16 : i32
        %parallel_loop3A_341 = arith.muli %parallel_loop3A_339, %parallel_loop3A_340 : i32
        %parallel_loop3A_342 = vector.broadcast %parallel_loop3A_341 : i32 to vector<16xi32>
        %parallel_loop3A_343 = arith.addi %parallel_loop3A_342, %iota3A : vector<16xi32>
        %parallel_loop3A_344 = arith.constant 128 : i32
        %parallel_loop3A_345 = arith.muli %add3A_244, %parallel_loop3A_344 : i32
        %parallel_loop3A_346 = arith.constant 16 : i32
        %parallel_loop3A_347 = arith.muli %parallel_loop3A_339, %parallel_loop3A_346 : i32
        %parallel_loop3A_348 = arith.addi %parallel_loop3A_345, %parallel_loop3A_347 : i32
        %parallel_loop3A_349 = arith.index_cast %parallel_loop3A_348 : i32 to index
        %parallel_loop3A_350 = tpu.vector_load %arg9[%parallel_loop3A_349] {strides = array<i32>} : memref<6400xi32, #tpu.memory_space<vmem>>, vector<16xi32>,
        %parallel_loop3A_351 = arith.constant 4 : i32
        %parallel_loop3A_352 = vector.broadcast %parallel_loop3A_351 : i32 to vector<16xi32>
        %parallel_loop3A_353 = arith.muli %parallel_loop3A_350, %parallel_loop3A_352 : vector<16xi32>
        %parallel_loop3A_354 = arith.constant 0 : i32
        %parallel_loop3A_355 = vector.broadcast %parallel_loop3A_354 : i32 to vector<16xi32>
        %parallel_loop3A_356 = arith.addi %parallel_loop3A_353, %parallel_loop3A_355 : vector<16xi32>
        %parallel_loop3A_357 = tpu.vector_load_idx %arg13[%parallel_loop3A_356] : memref<240xf32, #tpu.memory_space<vmem>>[vector<16xi32>], vector<16xf32>,
        %parallel_loop3A_358 = arith.constant 128 : i32
        %parallel_loop3A_359 = vector.broadcast %parallel_loop3A_358 : i32 to vector<16xi32>
        tpu.vector_store_idx %arg12[%broadcast_in_dim3A_266, %parallel_loop3A_359, %parallel_loop3A_343], %parallel_loop3A_357 : memref<2x136x128xf32, #tpu.memory_space<vmem>>[vector<16xi32>, vector<16xi32>, vector<16xi32>], vector<16xf32>,
        %parallel_loop3A_360 = arith.constant 1 : i32
        %parallel_loop3A_361 = vector.broadcast %parallel_loop3A_360 : i32 to vector<16xi32>
        %parallel_loop3A_362 = arith.addi %parallel_loop3A_353, %parallel_loop3A_361 : vector<16xi32>
        %parallel_loop3A_363 = tpu.vector_load_idx %arg13[%parallel_loop3A_362] : memref<240xf32, #tpu.memory_space<vmem>>[vector<16xi32>], vector<16xf32>,
        %parallel_loop3A_364 = arith.constant 129 : i32
        %parallel_loop3A_365 = vector.broadcast %parallel_loop3A_364 : i32 to vector<16xi32>
        tpu.vector_store_idx %arg12[%broadcast_in_dim3A_266, %parallel_loop3A_365, %parallel_loop3A_343], %parallel_loop3A_363 : memref<2x136x128xf32, #tpu.memory_space<vmem>>[vector<16xi32>, vector<16xi32>, vector<16xi32>], vector<16xf32>,
        %parallel_loop3A_366 = arith.constant 2 : i32
        %parallel_loop3A_367 = vector.broadcast %parallel_loop3A_366 : i32 to vector<16xi32>
        %parallel_loop3A_368 = arith.addi %parallel_loop3A_353, %parallel_loop3A_367 : vector<16xi32>
        %parallel_loop3A_369 = tpu.vector_load_idx %arg13[%parallel_loop3A_368] : memref<240xf32, #tpu.memory_space<vmem>>[vector<16xi32>], vector<16xf32>,
        %parallel_loop3A_370 = arith.constant 130 : i32
        %parallel_loop3A_371 = vector.broadcast %parallel_loop3A_370 : i32 to vector<16xi32>
        tpu.vector_store_idx %arg12[%broadcast_in_dim3A_266, %parallel_loop3A_371, %parallel_loop3A_343], %parallel_loop3A_369 : memref<2x136x128xf32, #tpu.memory_space<vmem>>[vector<16xi32>, vector<16xi32>, vector<16xi32>], vector<16xf32>,
        %parallel_loop3A_372 = arith.constant 3 : i32
        %parallel_loop3A_373 = vector.broadcast %parallel_loop3A_372 : i32 to vector<16xi32>
        %parallel_loop3A_374 = arith.addi %parallel_loop3A_353, %parallel_loop3A_373 : vector<16xi32>
        %parallel_loop3A_375 = tpu.vector_load_idx %arg13[%parallel_loop3A_374] : memref<240xf32, #tpu.memory_space<vmem>>[vector<16xi32>], vector<16xf32>,
        %parallel_loop3A_376 = arith.constant 131 : i32
        %parallel_loop3A_377 = vector.broadcast %parallel_loop3A_376 : i32 to vector<16xi32>
        tpu.vector_store_idx %arg12[%broadcast_in_dim3A_266, %parallel_loop3A_377, %parallel_loop3A_343], %parallel_loop3A_375 : memref<2x136x128xf32, #tpu.memory_space<vmem>>[vector<16xi32>, vector<16xi32>, vector<16xi32>], vector<16xf32>,
        %parallel_loop3A_378 = arith.index_cast %parallel_loop3A_348 : i32 to index
        %parallel_loop3A_379 = tpu.vector_load %arg10[%parallel_loop3A_378] {strides = array<i32>} : memref<6400xi32, #tpu.memory_space<vmem>>, vector<16xi32>,
        %parallel_loop3A_380 = arith.sitofp %parallel_loop3A_379 : vector<16xi32> to vector<16xf32>
        %parallel_loop3A_381 = arith.constant 132 : i32
        %parallel_loop3A_382 = vector.broadcast %parallel_loop3A_381 : i32 to vector<16xi32>
        tpu.vector_store_idx %arg12[%broadcast_in_dim3A_266, %parallel_loop3A_382, %parallel_loop3A_343], %parallel_loop3A_380 : memref<2x136x128xf32, #tpu.memory_space<vmem>>[vector<16xi32>, vector<16xi32>, vector<16xi32>], vector<16xf32>,
      } {sc.loop_unroll_factor = 2 : i64, sc.parallel_access}
      %mul3A_273 = arith.constant 128 : i32
      %mul3A_274 = arith.muli %add3A_244, %mul3A_273 : i32
      %add3A_275 = arith.addi %mul3A_2, %mul3A_274 : i32
      %jit3A_276 = arith.constant 1024 : i32
      %div3A_277 = arith.divsi %add3A_275, %jit3A_276 : i32
      %sign3A_278 = arith.constant 0 : i32
      %sign3A_279 = arith.cmpi sgt, %add3A_275, %sign3A_278 : i32
      %sign3A_280 = arith.extui %sign3A_279 : i1 to i32
      %sign3A_281 = arith.constant 0 : i32
      %sign3A_282 = arith.cmpi slt, %add3A_275, %sign3A_281 : i32
      %sign3A_283 = arith.extui %sign3A_282 : i1 to i32
      %sign3A_284 = arith.subi %sign3A_280, %sign3A_283 : i32
      %sign3A_285 = arith.constant 0 : i32
      %sign3A_286 = arith.cmpi sgt, %jit3A_276, %sign3A_285 : i32
      %sign3A_287 = arith.extui %sign3A_286 : i1 to i32
      %sign3A_288 = arith.constant 0 : i32
      %sign3A_289 = arith.cmpi slt, %jit3A_276, %sign3A_288 : i32
      %sign3A_290 = arith.extui %sign3A_289 : i1 to i32
      %sign3A_291 = arith.subi %sign3A_287, %sign3A_290 : i32
      %ne3A_292 = arith.cmpi ne, %sign3A_284, %sign3A_291 : i32
      %rem3A_293 = arith.remsi %add3A_275, %jit3A_276 : i32
      %ne3A_294 = arith.constant 0 : i32
      %ne3A_295 = arith.cmpi ne, %rem3A_293, %ne3A_294 : i32
      %and3A_296 = arith.andi %ne3A_292, %ne3A_295 : i1
      %sub3A_297 = arith.constant 1 : i32
      %sub3A_298 = arith.subi %div3A_277, %sub3A_297 : i32
      %select_n3A_299 = arith.select %and3A_296, %sub3A_298, %div3A_277 : i32
      %jit3A_300 = arith.constant 1024 : i32
      %eq3A_301 = arith.constant 0 : i32
      %eq3A_302 = arith.cmpi eq, %jit3A_300, %eq3A_301 : i32
      %jit3A_303 = arith.constant 1 : i32
      %select_n3A_304 = arith.select %eq3A_302, %jit3A_303, %jit3A_300 : i32
      %rem3A_305 = arith.remsi %add3A_275, %select_n3A_304 : i32
      %ne3A_306 = arith.constant 0 : i32
      %ne3A_307 = arith.cmpi ne, %rem3A_305, %ne3A_306 : i32
      %lt3A_308 = arith.constant 0 : i32
      %lt3A_309 = arith.cmpi slt, %rem3A_305, %lt3A_308 : i32
      %lt3A_310 = arith.constant 0 : i32
      %lt3A_311 = arith.cmpi slt, %select_n3A_304, %lt3A_310 : i32
      %ne3A_312 = arith.xori %lt3A_309, %lt3A_311 : i1
      %and3A_313 = arith.andi %ne3A_312, %ne3A_307 : i1
      %add3A_314 = arith.addi %rem3A_305, %select_n3A_304 : i32
      %select_n3A_315 = arith.select %and3A_313, %add3A_314, %rem3A_305 : i32
      %dma_start3A_316 = arith.constant 1 : i32
      %dma_start3A_317 = arith.constant 0 : i32
      %dma_start3A_318 = arith.constant 0 : i32
      %dma_start3A_319 = tpu.memref_slice %arg12[%dma_start3A_316, %dma_start3A_317, %dma_start3A_318] : memref<2x136x128xf32, #tpu.memory_space<vmem>> -> memref<1x133x128xf32, #tpu.memory_space<vmem>>
      %dma_start3A_320 = tpu.memref_squeeze %dma_start3A_319 : memref<1x133x128xf32, #tpu.memory_space<vmem>> -> memref<133x128xf32, #tpu.memory_space<vmem>>
      %dma_start3A_321 = arith.constant 0 : i32
      %dma_start3A_322 = tpu.memref_slice %arg7[%dma_start3A_321, %select_n3A_299, %select_n3A_315] : memref<133x200x1024xf32, #tpu.memory_space<hbm>> -> memref<133x1x128xf32, #tpu.memory_space<hbm>>
      %dma_start3A_323 = tpu.memref_squeeze %dma_start3A_322 : memref<133x1x128xf32, #tpu.memory_space<hbm>> -> memref<133x128xf32, #tpu.memory_space<hbm>>
      %dma_start3A_324 = arith.constant 0 : i32
      %dma_start3A_325 = tpu.memref_slice %arg7[%dma_start3A_324, %select_n3A_299, %select_n3A_315] : memref<133x200x1024xf32, #tpu.memory_space<hbm>> -> memref<133x1x128xf32, #tpu.memory_space<hbm>>
      %dma_start3A_326 = tpu.memref_squeeze %dma_start3A_325 : memref<133x1x128xf32, #tpu.memory_space<hbm>> -> memref<133x128xf32, #tpu.memory_space<hbm>>
      %dma_start3A_327 = arith.constant 0 : i32
      %dma_start3A_328 = arith.constant 0 : i32
      %dma_start3A_329 = tpu.memref_slice %arg12[%dma_start3A_316, %dma_start3A_327, %dma_start3A_328] : memref<2x136x128xf32, #tpu.memory_space<vmem>> -> memref<1x133x128xf32, #tpu.memory_space<vmem>>
      %dma_start3A_330 = tpu.memref_squeeze %dma_start3A_329 : memref<1x133x128xf32, #tpu.memory_space<vmem>> -> memref<133x128xf32, #tpu.memory_space<vmem>>
      tpu.enqueue_dma source(%dma_start3A_330 : memref<133x128xf32, #tpu.memory_space<vmem>>) target(%dma_start3A_326 : memref<133x128xf32, #tpu.memory_space<hbm>>) target_semaphore(%arg17 : memref<!tpu.dma_semaphore, #tpu.memory_space<semaphore_mem>>)
      %add3A_331 = arith.constant 2 : i32
      %add3A_332 = arith.addi %add3A_244, %add3A_331 : i32
      %lt3A_333 = arith.constant 50 : i32
      %lt3A_334 = arith.cmpi slt, %add3A_332, %lt3A_333 : i32
      %convert_element_type3A_335 = arith.extui %lt3A_334 : i1 to i32
      %cond3A_336 = arith.constant 0 : i32
      %cond3A_337 = arith.cmpi ne, %convert_element_type3A_335, %cond3A_336 : i32
      scf.if %cond3A_337 {
        %add3A_339 = arith.constant 2 : i32
        %add3A_340 = arith.addi %add3A_244, %add3A_339 : i32
        %mul3A_341 = arith.constant 128 : i32
        %mul3A_342 = arith.muli %add3A_340, %mul3A_341 : i32
        %dma_start3A_343 = arith.constant 1 : i32
        %dma_start3A_344 = arith.constant 0 : i32
        %dma_start3A_345 = arith.constant 0 : i32
        %dma_start3A_346 = tpu.memref_slice %arg11[%dma_start3A_343, %dma_start3A_344, %dma_start3A_345] : memref<2x128x128xf32, #tpu.memory_space<vmem>> -> memref<1x128x128xf32, #tpu.memory_space<vmem>>
        %dma_start3A_347 = tpu.memref_squeeze %dma_start3A_346 : memref<1x128x128xf32, #tpu.memory_space<vmem>> -> memref<128x128xf32, #tpu.memory_space<vmem>>
        %dma_start3A_348 = tpu.memref_slice %arg8[%mul3A_342] : memref<6400xi32, #tpu.memory_space<vmem>> -> memref<128xi32, #tpu.memory_space<vmem>>
        %dma_start3A_349 = arith.constant 0 : i32
        %dma_start3A_350 = arith.constant 0 : i32
        %dma_start3A_351 = tpu.memref_slice %arg5[%dma_start3A_349, %dma_start3A_350] : memref<100000x128xf32, #tpu.memory_space<hbm>> -> memref<100000x128xf32, #tpu.memory_space<hbm>>
        tpu.enqueue_indirect_dma source(%dma_start3A_351 : memref<100000x128xf32, #tpu.memory_space<hbm>>) target(%dma_start3A_347 : memref<128x128xf32, #tpu.memory_space<vmem>>) offsets(%dma_start3A_348 : memref<128xi32, #tpu.memory_space<vmem>>) semaphore(%arg15 : memref<!tpu.dma_semaphore, #tpu.memory_space<semaphore_mem>>)
      } else {
      }
      %scan3A_338 = arith.constant 0 : i32
      scf.yield %scan3A_338 : i32
    }
    %scan3A_42 = arith.constant 25 : i32
    %add3A_43 = arith.constant 6144 : i32
    %add3A_44 = arith.addi %mul3A_2, %add3A_43 : i32
    %jit3A = arith.constant 1024 : i32
    %div3A = arith.divsi %add3A_44, %jit3A : i32
    %sign3A = arith.constant 0 : i32
    %sign3A_45 = arith.cmpi sgt, %add3A_44, %sign3A : i32
    %sign3A_46 = arith.extui %sign3A_45 : i1 to i32
    %sign3A_47 = arith.constant 0 : i32
    %sign3A_48 = arith.cmpi slt, %add3A_44, %sign3A_47 : i32
    %sign3A_49 = arith.extui %sign3A_48 : i1 to i32
    %sign3A_50 = arith.subi %sign3A_46, %sign3A_49 : i32
    %sign3A_51 = arith.constant 0 : i32
    %sign3A_52 = arith.cmpi sgt, %jit3A, %sign3A_51 : i32
    %sign3A_53 = arith.extui %sign3A_52 : i1 to i32
    %sign3A_54 = arith.constant 0 : i32
    %sign3A_55 = arith.cmpi slt, %jit3A, %sign3A_54 : i32
    %sign3A_56 = arith.extui %sign3A_55 : i1 to i32
    %sign3A_57 = arith.subi %sign3A_53, %sign3A_56 : i32
    %ne3A = arith.cmpi ne, %sign3A_50, %sign3A_57 : i32
    %rem3A = arith.remsi %add3A_44, %jit3A : i32
    %ne3A_58 = arith.constant 0 : i32
    %ne3A_59 = arith.cmpi ne, %rem3A, %ne3A_58 : i32
    %and3A = arith.andi %ne3A, %ne3A_59 : i1
    %sub3A = arith.constant 1 : i32
    %sub3A_60 = arith.subi %div3A, %sub3A : i32
    %select_n3A = arith.select %and3A, %sub3A_60, %div3A : i32
    %jit3A_61 = arith.constant 1024 : i32
    %eq3A = arith.constant 0 : i32
    %eq3A_62 = arith.cmpi eq, %jit3A_61, %eq3A : i32
    %jit3A_63 = arith.constant 1 : i32
    %select_n3A_64 = arith.select %eq3A_62, %jit3A_63, %jit3A_61 : i32
    %rem3A_65 = arith.remsi %add3A_44, %select_n3A_64 : i32
    %ne3A_66 = arith.constant 0 : i32
    %ne3A_67 = arith.cmpi ne, %rem3A_65, %ne3A_66 : i32
    %lt3A = arith.constant 0 : i32
    %lt3A_68 = arith.cmpi slt, %rem3A_65, %lt3A : i32
    %lt3A_69 = arith.constant 0 : i32
    %lt3A_70 = arith.cmpi slt, %select_n3A_64, %lt3A_69 : i32
    %ne3A_71 = arith.xori %lt3A_68, %lt3A_70 : i1
    %and3A_72 = arith.andi %ne3A_71, %ne3A_67 : i1
    %add3A_73 = arith.addi %rem3A_65, %select_n3A_64 : i32
    %select_n3A_74 = arith.select %and3A_72, %add3A_73, %rem3A_65 : i32
    %dma_wait3A_75 = arith.constant 0 : i32
    %dma_wait3A_76 = arith.constant 0 : i32
    %dma_wait3A_77 = arith.constant 0 : i32
    %dma_wait3A_78 = tpu.memref_slice %arg12[%dma_wait3A_75, %dma_wait3A_76, %dma_wait3A_77] : memref<2x136x128xf32, #tpu.memory_space<vmem>> -> memref<1x133x128xf32, #tpu.memory_space<vmem>>
    %dma_wait3A_79 = tpu.memref_squeeze %dma_wait3A_78 : memref<1x133x128xf32, #tpu.memory_space<vmem>> -> memref<133x128xf32, #tpu.memory_space<vmem>>
    %dma_wait3A_80 = arith.constant 0 : i32
    %dma_wait3A_81 = tpu.memref_slice %arg7[%dma_wait3A_80, %select_n3A, %select_n3A_74] : memref<133x200x1024xf32, #tpu.memory_space<hbm>> -> memref<133x1x128xf32, #tpu.memory_space<hbm>>
    %dma_wait3A_82 = tpu.memref_squeeze %dma_wait3A_81 : memref<133x1x128xf32, #tpu.memory_space<hbm>> -> memref<133x128xf32, #tpu.memory_space<hbm>>
    %dma_wait3A_83 = arith.constant 0 : i32
    %dma_wait3A_84 = tpu.memref_slice %arg7[%dma_wait3A_83, %select_n3A, %select_n3A_74] : memref<133x200x1024xf32, #tpu.memory_space<hbm>> -> memref<133x1x128xf32, #tpu.memory_space<hbm>>
    %dma_wait3A_85 = tpu.memref_squeeze %dma_wait3A_84 : memref<133x1x128xf32, #tpu.memory_space<hbm>> -> memref<133x128xf32, #tpu.memory_space<hbm>>
    %dma_wait3A_86 = arith.constant 0 : i32
    %dma_wait3A_87 = arith.constant 0 : i32
    %dma_wait3A_88 = tpu.memref_slice %arg12[%dma_wait3A_75, %dma_wait3A_86, %dma_wait3A_87] : memref<2x136x128xf32, #tpu.memory_space<vmem>> -> memref<1x133x128xf32, #tpu.memory_space<vmem>>
    %dma_wait3A_89 = tpu.memref_squeeze %dma_wait3A_88 : memref<1x133x128xf32, #tpu.memory_space<vmem>> -> memref<133x128xf32, #tpu.memory_space<vmem>>
    tpu.wait_dma2 semaphore(%arg16 : memref<!tpu.dma_semaphore, #tpu.memory_space<semaphore_mem>>) src(%dma_wait3A_89 : memref<133x128xf32, #tpu.memory_space<vmem>>) dst(%dma_wait3A_85 : memref<133x128xf32, #tpu.memory_space<hbm>>)
    %add3A_90 = arith.constant 6272 : i32
    %add3A_91 = arith.addi %mul3A_2, %add3A_90 : i32
    %jit3A_92 = arith.constant 1024 : i32
    %div3A_93 = arith.divsi %add3A_91, %jit3A_92 : i32
    %sign3A_94 = arith.constant 0 : i32
    %sign3A_95 = arith.cmpi sgt, %add3A_91, %sign3A_94 : i32
    %sign3A_96 = arith.extui %sign3A_95 : i1 to i32
    %sign3A_97 = arith.constant 0 : i32
    %sign3A_98 = arith.cmpi slt, %add3A_91, %sign3A_97 : i32
    %sign3A_99 = arith.extui %sign3A_98 : i1 to i32
    %sign3A_100 = arith.subi %sign3A_96, %sign3A_99 : i32
    %sign3A_101 = arith.constant 0 : i32
    %sign3A_102 = arith.cmpi sgt, %jit3A_92, %sign3A_101 : i32
    %sign3A_103 = arith.extui %sign3A_102 : i1 to i32
    %sign3A_104 = arith.constant 0 : i32
    %sign3A_105 = arith.cmpi slt, %jit3A_92, %sign3A_104 : i32
    %sign3A_106 = arith.extui %sign3A_105 : i1 to i32
    %sign3A_107 = arith.subi %sign3A_103, %sign3A_106 : i32
    %ne3A_108 = arith.cmpi ne, %sign3A_100, %sign3A_107 : i32
    %rem3A_109 = arith.remsi %add3A_91, %jit3A_92 : i32
    %ne3A_110 = arith.constant 0 : i32
    %ne3A_111 = arith.cmpi ne, %rem3A_109, %ne3A_110 : i32
    %and3A_112 = arith.andi %ne3A_108, %ne3A_111 : i1
    %sub3A_113 = arith.constant 1 : i32
    %sub3A_114 = arith.subi %div3A_93, %sub3A_113 : i32
    %select_n3A_115 = arith.select %and3A_112, %sub3A_114, %div3A_93 : i32
    %jit3A_116 = arith.constant 1024 : i32
    %eq3A_117 = arith.constant 0 : i32
    %eq3A_118 = arith.cmpi eq, %jit3A_116, %eq3A_117 : i32
    %jit3A_119 = arith.constant 1 : i32
    %select_n3A_120 = arith.select %eq3A_118, %jit3A_119, %jit3A_116 : i32
    %rem3A_121 = arith.remsi %add3A_91, %select_n3A_120 : i32
    %ne3A_122 = arith.constant 0 : i32
    %ne3A_123 = arith.cmpi ne, %rem3A_121, %ne3A_122 : i32
    %lt3A_124 = arith.constant 0 : i32
    %lt3A_125 = arith.cmpi slt, %rem3A_121, %lt3A_124 : i32
    %lt3A_126 = arith.constant 0 : i32
    %lt3A_127 = arith.cmpi slt, %select_n3A_120, %lt3A_126 : i32
    %ne3A_128 = arith.xori %lt3A_125, %lt3A_127 : i1
    %and3A_129 = arith.andi %ne3A_128, %ne3A_123 : i1
    %add3A_130 = arith.addi %rem3A_121, %select_n3A_120 : i32
    %select_n3A_131 = arith.select %and3A_129, %add3A_130, %rem3A_121 : i32
    %dma_wait3A_132 = arith.constant 1 : i32
    %dma_wait3A_133 = arith.constant 0 : i32
    %dma_wait3A_134 = arith.constant 0 : i32
    %dma_wait3A_135 = tpu.memref_slice %arg12[%dma_wait3A_132, %dma_wait3A_133, %dma_wait3A_134] : memref<2x136x128xf32, #tpu.memory_space<vmem>> -> memref<1x133x128xf32, #tpu.memory_space<vmem>>
    %dma_wait3A_136 = tpu.memref_squeeze %dma_wait3A_135 : memref<1x133x128xf32, #tpu.memory_space<vmem>> -> memref<133x128xf32, #tpu.memory_space<vmem>>
    %dma_wait3A_137 = arith.constant 0 : i32
    %dma_wait3A_138 = tpu.memref_slice %arg7[%dma_wait3A_137, %select_n3A_115, %select_n3A_131] : memref<133x200x1024xf32, #tpu.memory_space<hbm>> -> memref<133x1x128xf32, #tpu.memory_space<hbm>>
    %dma_wait3A_139 = tpu.memref_squeeze %dma_wait3A_138 : memref<133x1x128xf32, #tpu.memory_space<hbm>> -> memref<133x128xf32, #tpu.memory_space<hbm>>
    %dma_wait3A_140 = arith.constant 0 : i32
    %dma_wait3A_141 = tpu.memref_slice %arg7[%dma_wait3A_140, %select_n3A_115, %select_n3A_131] : memref<133x200x1024xf32, #tpu.memory_space<hbm>> -> memref<133x1x128xf32, #tpu.memory_space<hbm>>
    %dma_wait3A_142 = tpu.memref_squeeze %dma_wait3A_141 : memref<133x1x128xf32, #tpu.memory_space<hbm>> -> memref<133x128xf32, #tpu.memory_space<hbm>>
    %dma_wait3A_143 = arith.constant 0 : i32
    %dma_wait3A_144 = arith.constant 0 : i32
    %dma_wait3A_145 = tpu.memref_slice %arg12[%dma_wait3A_132, %dma_wait3A_143, %dma_wait3A_144] : memref<2x136x128xf32, #tpu.memory_space<vmem>> -> memref<1x133x128xf32, #tpu.memory_space<vmem>>
    %dma_wait3A_146 = tpu.memref_squeeze %dma_wait3A_145 : memref<1x133x128xf32, #tpu.memory_space<vmem>> -> memref<133x128xf32, #tpu.memory_space<vmem>>
    tpu.wait_dma2 semaphore(%arg17 : memref<!tpu.dma_semaphore, #tpu.memory_space<semaphore_mem>>) src(%dma_wait3A_146 : memref<133x128xf32, #tpu.memory_space<vmem>>) dst(%dma_wait3A_142 : memref<133x128xf32, #tpu.memory_space<hbm>>)
    return
  }
}

</mosaic_0001>

<sc_bundles>
// kernel: kernel.3.cloned.1.call-start
scs
__scs_entry_jumppad:
0x0: {  	(pc) =	sbr.rel $0x88, $3  }
0x1: {  	(tag) =	ssettag $0x0;
	lr =	simm.s32 $0x1  }
0x2: {  	[smem:$0x3F9C] =	sst lr;
	_ =	strace $0xD0000000  }
0x3: {  	_ = 	snop  }
0x4: {  	_ = 	snop  }
0x5: {  	_ = 	snop  }
0x6: {  	_ = 	snop  }
0x7: {  	_ = 	snop  }
__scs_overlays_trampoline_lowered:
0x8: {  	[smem:$0x3FAB] =	sst s0  }
0x9: {  	[smem:$0x3FAC] =	sst s1  }
0xa: {  	[smem:$0x3FAD] =	sst s2  }
0xb: {  	[smem:$0x3FAE] =	sst s3  }
0xc: {  	[smem:$0x3FAF] =	sst s4  }
0xd: {  	[smem:$0x3FB0] =	sst s5  }
0xe: {  	[smem:$0x3FB1] =	sst s6  }
0xf: {  	[smem:$0x3FB2] =	sst s7  }
0x10: {  	[smem:$0x3FB3] =	sst s8  }
0x11: {  	[smem:$0x3FB4] =	sst s9;
	s0 =	simm.s32 @!p0 $0x0  }
0x12: {  	s1 =	sld [smem:$0x3F9A];
	s0 =	simm.s32 @p0 $0x1  }
0x13: {  	[smem:$0x3FB5] =	sst s0;
	s0 =	simm.s32 @!p1 $0x0  }
0x14: {  	s2 =	sld [smem:$0x3F99];
	s0 =	simm.s32 @p1 $0x1  }
0x15: {  	[smem:$0x3FB6] =	sst s0;
	s0 =	simm.s32 @!p2 $0x0  }
0x16: {  	s3 =	sld [smem:$0x3FDB];
	s0 =	simm.s32 @p2 $0x1  }
0x17: {  	s4 =	simm.s32 $0x1BF5;
	[smem:$0x3FB8] =	sst s0  }
0x18: {  	s0 =	sld [smem:$0x3F9B];
	_ =	swait.ge [sflag:s4], $0x0  }
0x19: {  	s7 =	sld [smem:$0x3F9C]  }
0x1a: {  	s8 =	sadd.s32 $0xFFFFE003, lr  }
0x1b: {  	s9 =	sadd.s32 $0xFFFFFEF7, lr;
	s5 =	simm.s32 $0xFFFFFFFF;
	p2 =	slt.u32 s8, $0xFFFFF086  }
0x1c: {  	p1 =	slt.u32 s9, $0xF7A;
	s5 =	simm.s32 @!p2 $0x0  }
0x1d: {  	s5 =	simm.s32 @p1 $0x1;
	p0 =	seq.s32 s7, s2  }
0x1e: {  	s7 =	smul.u32 @!p0 $0xF7A, s2;
	p2 =	seq.s32 @!p0 s5, $0x0  }
0x1f: {  	s9 =	smul.u32 $0xF7A, s1;
	s8 =	simm.s32 @!p0 $0x1BF5;
	p2 =	por !p2, p0  }
0x20: {  	[sflag:s8] =	ssyncset.s32 @!p0 $0xFFFFF086;
	s6 =	sadd.s32 @!p0 s3, s7;
	s7 =	simm.s32 @!p0 $0x108  }
0x21: {  	s3 =	sadd.s32 s3, s9;
	s6 =	sadd.s32 @!p0 $0x88, s6;
	s7 =	simm.s32 @p2 $0x1082  }
0x22: {  	[simem:s7], [sflag:s8] =	dma.local @!p0 [hbm:s6], $0xF7A  }
0x23: {  	s9 =	sor.u32 $0xD0000000, s2;
	s6 =	simm.s32 $0x108;
	_ =	swait.ge @!p0 [sflag:s8], $0x0  }
0x24: {  	s3 =	sadd.s32 $0x88, s3;
	s6 =	simm.s32 @!p1 $0x1082;
	[sflag:s4] =	ssyncset.s32 $0xFFFFF086  }
0x25: {  	[simem:s6], [sflag:s4] =	dma.local [hbm:s3], $0xF7A  }
0x26: {  	[smem:$0x3F9C] =	sst s1;
	(tag) =	ssettag s2;
	_ =	strace s9  }
0x27: {  	s1 =	sld [smem:$0x3FAC]  }
0x28: {  	s2 =	sld [smem:$0x3FAD]  }
0x29: {  	s4 =	sld [smem:$0x3FAF]  }
0x2a: {  	p0 =	seq.s32 s5, $0x0;
	s5 =	sld [smem:$0x3FB0]  }
0x2b: {  	s6 =	sld [smem:$0x3FB1]  }
0x2c: {  	s7 =	sld [smem:$0x3FB2]  }
0x2d: {  	s3 =	simm.s32 $0x108;
	s8 =	sld [smem:$0x3FB3]  }
0x2e: {  	s3 =	simm.s32 @!p0 $0x1082;
	s9 =	sld [smem:$0x3FB4]  }
0x2f: {  	lr =	sadd.s32 s0, s3;
	s0 =	sld [smem:$0x3FAB]  }
0x30: {  	s3 =	sld [smem:$0x3FAE]  }
0x31: {  	[smem:$0x3FB7] =	sst s10  }
0x32: {  	s10 =	sld [smem:$0x3FB5];
	_ =	sdelay $0x3  }
0x33: {  	p0 =	seq.s32 s10, $0x1;
	s10 =	sld [smem:$0x3FB7];
	_ =	sdelay $0x3  }
0x34: {  	[smem:$0x3FB7] =	sst s10  }
0x35: {  	s10 =	sld [smem:$0x3FB6];
	_ =	sdelay $0x3  }
0x36: {  	p1 =	seq.s32 s10, $0x1;
	s10 =	sld [smem:$0x3FB7];
	_ =	sdelay $0x3  }
0x37: {  	[smem:$0x3FB7] =	sst s10  }
0x38: {  	s10 =	sld [smem:$0x3FB8]  }
0x39: {  	_ = 	snop;
	(pc) =	sbr.ind lr, $3  }
0x3a: {  	_ = 	snop  }
0x3b: {  	_ = 	snop  }
0x3c: {  	p2 =	seq.s32 s10, $0x1;
	s10 =	sld [smem:$0x3FB7]  }
0x3d: {  	_ =	shalt  }
0x3e: {  	_ =	shalt  }
0x3f: {  	_ =	shalt  }
0x40: {  	_ =	shalt  }
0x41: {  	_ =	shalt  }
0x42: {  	_ =	shalt  }
0x43: {  	_ =	shalt  }
0x44: {  	_ =	shalt  }
0x45: {  	_ =	shalt  }
0x46: {  	_ =	shalt  }
0x47: {  	_ =	shalt  }
0x48: {  	_ =	shalt  }
0x49: {  	_ =	shalt  }
0x4a: {  	_ =	shalt  }
0x4b: {  	_ =	shalt  }
0x4c: {  	_ =	shalt  }
0x4d: {  	_ =	shalt  }
0x4e: {  	_ =	shalt  }
0x4f: {  	_ =	shalt  }
0x50: {  	_ =	shalt  }
0x51: {  	_ =	shalt  }
0x52: {  	_ =	shalt  }
0x53: {  	_ =	shalt  }
0x54: {  	_ =	shalt  }
0x55: {  	_ =	shalt  }
0x56: {  	_ =	shalt  }
0x57: {  	_ =	shalt  }
0x58: {  	_ =	shalt  }
0x59: {  	_ =	shalt  }
0x5a: {  	_ =	shalt  }
0x5b: {  	_ =	shalt  }
0x5c: {  	_ =	shalt  }
0x5d: {  	_ =	shalt  }
0x5e: {  	_ =	shalt  }
0x5f: {  	_ =	shalt  }
0x60: {  	_ =	shalt  }
0x61: {  	_ =	shalt  }
0x62: {  	_ =	shalt  }
0x63: {  	_ =	shalt  }
0x64: {  	_ =	shalt  }
0x65: {  	_ =	shalt  }
0x66: {  	_ =	shalt  }
0x67: {  	_ =	shalt  }
0x68: {  	_ =	shalt  }
0x69: {  	_ =	shalt  }
0x6a: {  	_ =	shalt  }
0x6b: {  	_ =	shalt  }
0x6c: {  	_ =	shalt  }
0x6d: {  	_ =	shalt  }
0x6e: {  	_ =	shalt  }
0x6f: {  	_ =	shalt  }
0x70: {  	_ =	shalt  }
0x71: {  	_ =	shalt  }
0x72: {  	_ =	shalt  }
0x73: {  	_ =	shalt  }
0x74: {  	_ =	shalt  }
0x75: {  	_ =	shalt  }
0x76: {  	_ =	shalt  }
0x77: {  	_ =	shalt  }
0x78: {  	_ =	shalt  }
0x79: {  	_ =	shalt  }
0x7a: {  	_ =	shalt  }
0x7b: {  	_ =	shalt  }
0x7c: {  	_ =	shalt  }
0x7d: {  	_ =	shalt  }
0x7e: {  	_ =	shalt  }
0x7f: {  	_ =	shalt  }
0x80: {  	_ =	shalt  }
0x81: {  	_ =	shalt  }
0x82: {  	_ =	shalt  }
0x83: {  	_ =	shalt  }
0x84: {  	_ =	shalt  }
0x85: {  	_ =	shalt  }
0x86: {  	_ =	shalt  }
0x87: {  	_ =	shalt  }
.Lfunc_end0:
.L_simem_size_0:
called_computation_lowered:
.L_overlay_start_0:
0x88: {  	s2 =	sld [smem:$0x3FD9]  }
0x89: {  	s3 =	sld [smem:$0x3FFE];
	_ =	sdelay $0x1  }
0x8a: {  	s1 =	srdreg.scid  }
0x8b: {  	s0 =	sand.u32 $0x1, s1  }
0x8c: {  	s17 =	sshll.u32 s0, $0xA;
	s2 =	sadd.s32 s3, s2  }
0x8d: {  	s2 =	sadd.s32 s2, s17  }
0x8e: {  	[smem:$0x3FC3] =	sst s2  }
0x8f: {  	_ = 	snop  }
0x90: {  	s2 =	sld [smem:$0x3FC6]  }
0x91: {  	s18 =	sld [smem:$0x3FD0];
	(tm) =	ssettm $0x1  }
0x92: {  	s4 =	sld [smem:$0x3FFB];
	_ =	sdelay $0x3  }
0x93: {  	_ =	strace s4  }
0x94: {  	s4 =	sld [smem:$0x3FFC];
	_ =	sdelay $0x3  }
0x95: {  	_ =	strace s4  }
0x96: {  	s4 =	sld [smem:$0x3FFD];
	_ =	sdelay $0x3  }
0x97: {  	_ =	strace s4  }
0x98: {  	_ =	strace $0x8FFFFFFF  }
0x99: {  	s19 =	sld [smem:$0x3FDB];
	_ =	sdelay $0x1  }
0x9a: {  	s5 =	simm.s32 $_scs_section_size  }
0x9b: {  	s6 =	simm.s32 $_size__tile_overlayer_lowered;
	s7 =	simm.s32 $_tile_overlayer_lowered  }
0x9c: {  	s22 =	simm.s32 $0x1BFF;
	s21 =	sshll.u32 s7, $0x1;
	s4 =	sadd.s32 s5, s19  }
0x9d: {  	s8 =	simm.s32 $0x0;
	s20 =	sshll.u32 s6, $0x1;
	s6 =	sadd.s32 s21, s4  }
0x9e: {  	[timem:s8], [sflag:s22] =	dma.local [hbm:s6], s20  }
0x9f: {  	_ =	swait.ge [sflag:s22], s20  }
0xa0: {  	s5 =	ssub.s32 $0x0, s20;
	[sflag:s22] =	ssyncset.done $0x0  }
0xa1: {  	[sflag:s22] =	ssyncadd.s32 s5;
	_ =	sdelay $0x1  }
0xa2: {  	s23 =	simm.s32 $0x1B8B  }
0xa3: {  	_ =	swait.ge [sflag:s23], $0x1  }
0xa4: {  	[sflag:s23] =	ssyncset.done $0x0  }
0xa5: {  	s25 =	simm.s32 $0x1B8E;
	s24 =	sld [smem:$0x3FFE];
	[sflag:s23] =	ssyncadd.s32 $0xFFFFFFFF  }
0xa6: {  	s26 =	simm.s32 $execute0_lowered;
	[smem:$0x3FD2] =	sst s25  }
0xa7: {  	s6 =	sshll.u32 s26, $0x1;
	_ =	strace $0x80000046;
	[dreg:$0x1] =	wrdreg $0xFFFFFFFF  }
0xa8: {  	s28 =	simm.s32 $_size_execute0_lowered;
	s4 =	sadd.s32 s4, s6;
	[dreg:$0x0] =	wrdreg $0x0  }
0xa9: {  	s6 =	sshll.u32 s28, $0x1;
	[dreg:$0x2] =	wrdreg s4  }
0xaa: {  	[dreg:$0x3] =	wrdreg s6  }
0xab: {  	[dreg:$0x4] =	wrdreg $0xC0  }
0xac: {  	_ =	task [dreg:s8], $0x5FFFF  }
0xad: {  	[dreg:$0x1] =	wrdreg $0xFFFFFFFF  }
0xae: {  	[dreg:$0x0] =	wrdreg $0x60  }
0xaf: {  	[dreg:$0x2] =	wrdreg s24  }
0xb0: {  	[dreg:$0x3] =	wrdreg s2  }
0xb1: {  	[dreg:$0x4] =	wrdreg s18  }
0xb2: {  	[dreg:$0x5] =	wrdreg $0x9  }
0xb3: {  	_ =	task.clear_ibuf [dreg:s8], $0x6FFFF;
	_ =	strace $0x90000046  }
0xb4: {  	s29 =	simm.s32 $0x9;
	_ =	strace $0x80000048  }
0xb5: {  	_ =	swait.ge [sflag:s29], $0x1  }
0xb6: {  	[sflag:s29] =	ssyncadd.s32 $0xFFFFFFFF  }
0xb7: {  	_ =	strace $0x90000048  }
0xb8: {  	_ =	sfence  }
0xb9: {  	s30 =	sld [smem:$0x0];
	_ =	sdelay $0x2  }
0xba: {  	s31 =	sshll.u32 s1, $0xD;
	s1 =	sshrl.u32 s1, $0x2  }
0xbb: {  	s3 =	sand.u32 $0x4000, s31;
	s1 =	sadd.s32 s1, s30  }
0xbc: {  	s0 =	sor.u32 s3, s0;
	s1 =	sshll.u32 s1, $0x11  }
0xbd: {  	s0 =	sor.u32 s1, s0  }
0xbe: {  	s0 =	sadd.s32 $0x8F2B, s0  }
0xbf: {  	[sflag:s0] =	ssyncadd.remote.s32 $0x1  }
0xc0: {  	_ =	sfence.sel $0xFFFF  }
0xc1: {  	[dreg:$0x0] =	wrdreg $0xFFFFFFFF;
	(pc) =	sbr.abs _section_cstart, $3  }
0xc2: {  	[dreg:$0x1] =	wrdreg $0xFFFFFFFF  }
0xc3: {  	_ =	task.clear_ibuf [dreg:s8], $0x2FFFF;
	_ =	strace $0x9FFFFFFF  }
0xc4: {  	(tm) =	ssettm $0x7FFFFFFF  }
0xc5: {  	_ =	shalt  }
tec
execute0_lowered:
.L_overlay_start_1:
0x0: {  	(tag) =	ssettag $0x1  }
0x1: {  	v3 =	vlaneseq.u32  }
0x2: {  	vm14 =	vcmask $0x300;
	v0 =	vimm.s32 $0xF;
	v1 =	vimm.s32 $0xFEDCBA9  }
0x3: {  	vm13 =	vcmask $0x704;
	vm12 =	vcmask $0xB08;
	v2 =	vimm.s32 $0x87654321  }
0x4: {  	vm11 =	vcmask $0xF0C;
	vm10 =	vcmask $0x1310;
	vm9 =	vcmask $0x1714  }
0x5: {  	vm8 =	vcmask $0x1B18;
	vm7 =	vcmask $0x1F1C;
	vm6 =	vcmask $0x2320  }
0x6: {  	vm4 =	vcmask $0x2724;
	v39 =	vimm.s32 $0x8F;
	vm3 =	vcmask $0x2B28  }
0x7: {  	vm2 =	vcmask $0x2F2C;
	vm1 =	vcmask $0x3330;
	vm0 =	vcmask $0x3734  }
0x8: {  	v41 =	vimm.s32 $0x10FEDCBA;
	v4 =	vimm.s32 $0x10F;
	vm5 =	vcmask $0x3B38  }
0x9: {  	v7 =	vimm.s32 $0xA9876543;
	v8 =	vimm.s32 $0x18F;
	v9 =	vimm.s32 $0xBA987654  }
0xa: {  	v11 =	vimm.s32 $0xCBA98765;
	v12 =	vimm.s32 $0x28F;
	v51 =	vimm.s32 $0xFEDCBA98  }
0xb: {  	v23 =	vimm.s32 $0xEDCBA987;
	v24 =	vimm.s32 $0x30F;
	v25 =	vimm.s32 $0x38F  }
0xc: {  	v33 =	vmul.u32 $0x80, v3;
	v0 =	vsel vm14, $0x80, v0;
	v1 =	vunpack.c.l.s4.s8 v1  }
0xd: {  	v2 =	vunpack.c.l.s4.s8 v2;
	v36 =	vmul.u32 $0x81, v3;
	v3 =	vimm.s32 $0x98765432  }
0xe: {  	v4 =	vsel vm14, $0x180, v4;
	v7 =	vunpack.c.l.s4.s8 v7;
	v9 =	vunpack.c.l.s4.s8 v9  }
0xf: {  	v11 =	vunpack.c.l.s4.s8 v11;
	v23 =	vunpack.c.l.s4.s8 v23;
	v24 =	vsel vm14, $0x380, v24  }
0x10: {  	v52 =	vsel vm14, $0x400, v25;
	v25 =	vimm.s32 $0x40F;
	v0 =	vsel vm13, $0x101, v0  }
0x11: {  	v3 =	vunpack.c.l.s4.s8 v3;
	v4 =	vsel vm13, $0x201, v4;
	v0 =	vsel vm12, $0x182, v0  }
0x12: {  	v14 =	vunpack.c.0.s8.s32 v1;
	v15 =	vunpack.c.0.s8.s32 v2;
	v2 =	vsel vm14, $0x100, v39  }
0x13: {  	v6 =	vsel vm12, $0x282, v4;
	v17 =	vunpack.c.0.s8.s32 v7;
	v19 =	vunpack.c.0.s8.s32 v9  }
0x14: {  	v21 =	vunpack.c.0.s8.s32 v11;
	v0 =	vsel vm11, $0x203, v0;
	v2 =	vsel vm13, $0x181, v2  }
0x15: {  	v3 =	vunpack.c.0.s8.s32 v3;
	v43 =	vsel vm11, $0x303, v6;
	v6 =	vimm.s32 $0x210FEDCB  }
0x16: {  	v0 =	vsel vm10, $0x284, v0;
	v1 =	vcombine.low v15, v14;
	v2 =	vsel vm12, $0x202, v2  }
0x17: {  	v6 =	vunpack.c.l.s4.s8 v6;
	v26 =	vcombine.low v14, v15;
	v14 =	vsel vm14, $0x480, v25  }
0x18: {  	v15 =	vimm.s32 $0x48F;
	v0 =	vsel vm9, $0x305, v0;
	v40 =	vsel vm11, $0x283, v2  }
0x19: {  	v2 =	vunpack.c.l.s4.s8 v41;
	v0 =	vsel vm8, $0x386, v0;
	v63 =	vand.u32 $0xF, v1  }
0x1a: {  	v1 =	vsel vm10, $0x304, v40;
	v16 =	vunpack.c.0.s8.s32 v6;
	v6 =	vsel vm14, $0x200, v8  }
0x1b: {  	v8 =	vimm.s32 $0x3210FEDC;
	v0 =	vsel vm7, $0x407, v0;
	v1 =	vsel vm9, $0x385, v1  }
0x1c: {  	v2 =	vunpack.c.0.s8.s32 v2;
	v7 =	vsel vm13, $0x281, v6;
	v8 =	vunpack.c.l.s4.s8 v8  }
0x1d: {  	v0 =	vsel vm6, $0x488, v0;
	v1 =	vsel vm8, $0x406, v1;
	v45 =	vsel vm12, $0x302, v7  }
0x1e: {  	v7 =	vcombine.low v17, v16;
	v25 =	vcombine.low v16, v17;
	v16 =	vimm.s32 $0x58F  }
0x1f: {  	v17 =	vimm.s32 $0x60F;
	v0 =	vsel vm4, $0x509, v0;
	v1 =	vsel vm7, $0x487, v1  }
0x20: {  	v5 =	vcombine.low v3, v2;
	v18 =	vunpack.c.0.s8.s32 v8;
	v8 =	vimm.s32 $0x20F  }
0x21: {  	v2 =	vcombine.low v2, v3;
	v3 =	vsel vm14, $0x500, v15;
	v15 =	vimm.s32 $0x50F  }
0x22: {  	v16 =	vsel vm14, $0x600, v16;
	v17 =	vsel vm14, $0x680, v17;
	v0 =	vsel vm3, $0x58A, v0  }
0x23: {  	v1 =	vsel vm6, $0x508, v1;
	v10 =	vsel vm14, $0x280, v8;
	v15 =	vsel vm14, $0x580, v15  }
0x24: {  	v3 =	vsel vm13, $0x581, v3;
	v53 =	vsel vm13, $0x701, v17;
	v39 =	vand.u32 $0xF, v25  }
0x25: {  	v0 =	vsel vm2, $0x60B, v0;
	v1 =	vsel vm4, $0x589, v1;
	v5 =	vand.u32 $0xF, v5  }
0x26: {  	v9 =	vcombine.low v19, v18;
	v47 =	vsel vm13, $0x301, v10;
	v10 =	vimm.s32 $0x43210FED  }
0x27: {  	v27 =	vcombine.low v18, v19;
	v18 =	vimm.s32 $0x68F;
	v19 =	vimm.s32 $0x70F  }
0x28: {  	v3 =	vsel vm12, $0x602, v3;
	v0 =	vsel vm1, $0x68C, v0;
	v1 =	vsel vm3, $0x60A, v1  }
0x29: {  	v10 =	vunpack.c.l.s4.s8 v10;
	v18 =	vsel vm14, $0x700, v18;
	v19 =	vsel vm14, $0x780, v19  }
0x2a: {  	v58 =	vsel vm11, $0x683, v3;
	v0 =	vsel vm0, $0x70D, v0;
	v42 =	vsel vm2, $0x68B, v1  }
0x2b: {  	v1 =	vsel vm10, $0x384, v43;
	v9 =	vand.u32 $0xF, v9;
	v43 =	vunpack.c.0.s8.s32 v23  }
0x2c: {  	v23 =	vsel vm13, $0x601, v15;
	v34 =	vsel vm13, $0x781, v18;
	v35 =	vsel vm13, $0x1, v19  }
0x2d: {  	v59 =	vsel vm10, $0x704, v58;
	v32 =	vsel vm5, $0x78E, v0;
	v0 =	vsel vm1, $0x70C, v42  }
0x2e: {  	v1 =	vsel vm9, $0x405, v1;
	v42 =	vand.u32 $0xF, v7;
	v20 =	vunpack.c.0.s8.s32 v10  }
0x2f: {  	v10 =	vsel vm14, $0x300, v12;
	v60 =	vsel vm12, $0x682, v23;
	v1 =	vsel vm8, $0x486, v1  }
0x30: {  	v0 =	vsel vm0, $0x78D, v0;
	v10 =	vsel vm13, $0x381, v10;
	v1 =	vsel vm7, $0x507, v1  }
0x31: {  	v6 =	vsel vm5, $0xE, v0;
	v10 =	vsel vm12, $0x402, v10;
	v11 =	vcombine.low v21, v20  }
0x32: {  	v28 =	vcombine.low v20, v21;
	v21 =	vsel vm13, $0x401, v24;
	v24 =	vsel vm13, $0x681, v16  }
0x33: {  	v1 =	vsel vm6, $0x588, v1;
	v12 =	vsel vm11, $0x483, v10;
	v17 =	vsel vm12, $0x482, v21  }
0x34: {  	v21 =	vand.u32 $0xF, v26;
	v61 =	vsel vm12, $0x702, v24;
	v1 =	vsel vm4, $0x609, v1  }
0x35: {  	v49 =	vsel vm10, $0x504, v12;
	v11 =	vand.u32 $0xF, v11;
	v12 =	vimm.s32 $0x543210FE  }
0x36: {  	v23 =	vmovc v5;
	v54 =	vsel vm11, $0x503, v17;
	v5 =	vand.u32 $0xF, v28;
	v44 =	vsel vm3, $0x68A, v1  }
0x37: {  	v1 =	vsel vm11, $0x383, v45;
	v13 =	vunpack.c.l.s4.s8 v12;
	v12 =	vimm.s32 $0xDCBA9876  }
0x38: {  	v45 =	vsel vm12, $0x782, v53;
	v0 =	vsel vm2, $0x70B, v44;
	v1 =	vsel vm10, $0x404, v1  }
0x39: {  	v22 =	vunpack.c.l.s4.s8 v12;
	v1 =	vsel vm9, $0x485, v1;
	v0 =	vsel vm1, $0x78C, v0  }
0x3a: {  	v29 =	vunpack.c.0.s8.s32 v13;
	v13 =	vimm.s32 $0x76543210;
	v1 =	vsel vm8, $0x506, v1  }
0x3b: {  	v0 =	vsel vm0, $0xD, v0;
	v30 =	vunpack.c.0.s8.s32 v22;
	v13 =	vunpack.c.l.s4.s8 v13  }
0x3c: {  	v22 =	vimm.s32 $0x6543210F;
	v1 =	vsel vm7, $0x587, v1;
	v8 =	vsel vm5, $0x8E, v0  }
0x3d: {  	v22 =	vunpack.c.l.s4.s8 v22;
	v1 =	vsel vm6, $0x608, v1;
	v13 =	vunpack.c.0.s8.s32 v13  }
0x3e: {  	v20 =	vcombine.low v30, v29;
	v53 =	vcombine.low v29, v30;
	v1 =	vsel vm4, $0x689, v1  }
0x3f: {  	v31 =	vunpack.c.0.s8.s32 v22;
	v22 =	vsel vm13, $0x501, v14;
	v46 =	vsel vm3, $0x70A, v1  }
0x40: {  	v1 =	vsel vm12, $0x382, v47;
	v14 =	vand.u32 $0xF, v20;
	v17 =	vsel vm12, $0x582, v22  }
0x41: {  	v22 =	vlaneseq.u32;
	v47 =	vsel vm11, $0x3, v45;
	v0 =	vsel vm2, $0x78B, v46  }
0x42: {  	v3 =	vmovc v8;
	v1 =	vsel vm11, $0x403, v1;
	v16 =	vcombine.low v43, v31;
	v17 =	vsel vm11, $0x603, v17  }
0x43: {  	v10 =	vmovc v3;
	v3 =	vcombine.low v31, v43;
	v58 =	vor.u32 $0x4180, v22;
	v1 =	vsel vm10, $0x484, v1  }
0x44: {  	v24 =	vor.u32 $0x8400, v22;
	v40 =	vor.u32 $0x8500, v22;
	v1 =	vsel vm9, $0x505, v1  }
0x45: {  	v0 =	vsel vm1, $0xC, v0;
	v17 =	vsel vm10, $0x684, v17;
	v1 =	vsel vm8, $0x586, v1  }
0x46: {  	v0 =	vsel vm0, $0x8D, v0;
	v17 =	vsel vm9, $0x705, v17;
	v1 =	vsel vm7, $0x607, v1  }
0x47: {  	v16 =	vand.u32 $0xF, v16;
	v17 =	vsel vm8, $0x786, v17;
	v1 =	vsel vm6, $0x688, v1  }
0x48: {  	v28 =	vmovc v6;
	v6 =	vand.u32 $0xF, v3;
	v17 =	vsel vm7, $0x7, v17;
	v1 =	vsel vm4, $0x709, v1  }
0x49: {  	v17 =	vsel vm6, $0x88, v17;
	v48 =	vsel vm3, $0x78A, v1;
	v1 =	vsel vm9, $0x585, v49  }
0x4a: {  	v37 =	vsel vm5, $0x10E, v0;
	v17 =	vsel vm4, $0x109, v17;
	v1 =	vsel vm8, $0x606, v1  }
0x4b: {  	v18 =	vsel vm3, $0x18A, v17;
	v17 =	vand.u32 $0xF, v27;
	v1 =	vsel vm7, $0x687, v1  }
0x4c: {  	v49 =	vsel vm12, $0x2, v34;
	v0 =	vsel vm2, $0xB, v48;
	v1 =	vsel vm6, $0x708, v1  }
0x4d: {  	v56 =	vsel vm2, $0x20B, v18;
	v50 =	vsel vm4, $0x789, v1;
	v1 =	vunpack.c.l.s4.s8 v51  }
0x4e: {  	s2 =	srdreg.scid;
	s3 =	stileid.u32;
	v18 =	vand.u32 $0xF, v2;
	v2 =	vsel vm11, $0x783, v61;
	v0 =	vsel vm1, $0x8C, v0  }
0x4f: {  	s0 =	rddreg [dreg:$0x0];
	s2 =	sand.u32 $0x1, s2;
	s4 =	sshll.u32 s3, $0x1;
	v48 =	vsel vm10, $0x84, v47;
	v0 =	vsel vm0, $0x10D, v0;
	v1 =	vunpack.c.0.s8.s32 v1  }
0x50: {  	s1 =	rddreg [dreg:$0x1];
	s5 =	sor.u32 s2, s4;
	s4 =	simm.s32 $0x0;
	v61 =	vor.u32 $0x8580, v22;
	v41 =	vsel vm5, $0x18E, v0;
	v0 =	vsel vm3, $0xA, v50  }
0x51: {  	[smem:$0x7FF] =	sst s4;
	v2 =	vsel vm10, $0x4, v2;
	v0 =	vsel vm2, $0x8B, v0;
	v1 =	vand.u32 $0xF, v1  }
0x52: {  	s3 =	rddreg [dreg:$0x2];
	_ =	strace $0x80000047;
	[tilespmem:$0x1FF50] =	vst v63;
	v0 =	vsel vm1, $0x10C, v0;
	v13 =	vcombine.low v1, v13;
	v1 =	vsel vm13, $0x481, v52  }
0x53: {  	[tilespmem:$0x1FEA0] =	vst v39;
	v15 =	vmovc v33;
	v2 =	vsel vm9, $0x85, v2;
	v0 =	vsel vm0, $0x18D, v0;
	v1 =	vsel vm12, $0x502, v1  }
0x54: {  	[tilespmem:$0x1FFA0] =	vst v15;
	v19 =	vsel vm5, $0x20E, v0;
	v0 =	vsel vm10, $0x584, v54;
	v1 =	vsel vm11, $0x583, v1  }
0x55: {  	[tilespmem:$0x1FE30] =	vst v42;
	v2 =	vsel vm8, $0x106, v2;
	v0 =	vsel vm9, $0x605, v0;
	v1 =	vsel vm10, $0x604, v1  }
0x56: {  	[tilespmem:$0x1FEF0] =	vst v32;
	v2 =	vsel vm7, $0x187, v2;
	v0 =	vsel vm8, $0x686, v0;
	v1 =	vsel vm9, $0x685, v1  }
0x57: {  	[tilespmem:$0x1FF60] =	vst v21;
	v50 =	vsel vm12, $0x82, v35;
	v0 =	vsel vm7, $0x707, v0;
	v1 =	vsel vm8, $0x706, v1  }
0x58: {  	[tilespmem:$0x1FEC0] =	vst v5;
	v2 =	vsel vm6, $0x208, v2;
	v0 =	vsel vm6, $0x788, v0;
	v1 =	vsel vm7, $0x787, v1  }
0x59: {  	[tilespmem:$0x1FEB0] =	vst v28;
	v2 =	vsel vm4, $0x289, v2;
	v0 =	vsel vm4, $0x9, v0;
	v1 =	vsel vm6, $0x8, v1  }
0x5a: {  	[tilespmem:$0x1FED0] =	vst v10;
	v44 =	vsel vm3, $0x30A, v2;
	v0 =	vsel vm3, $0x8A, v0;
	v1 =	vsel vm4, $0x89, v1  }
0x5b: {  	[tilespmem:$0x1FF70] =	vst v14;
	v2 =	vsel vm11, $0x103, v50;
	v0 =	vsel vm2, $0x10B, v0;
	v1 =	vsel vm3, $0x10A, v1  }
0x5c: {  	[tilespmem:$0x1FDD0] =	vst v58;
	v2 =	vsel vm10, $0x184, v2;
	v0 =	vsel vm1, $0x18C, v0;
	v1 =	vsel vm2, $0x18B, v1  }
0x5d: {  	[tilespmem:$0x1FF20] =	vst v24;
	v0 =	vsel vm0, $0x20D, v0;
	v55 =	vsel vm1, $0x20C, v1;
	v1 =	vsel vm1, $0x28C, v56  }
0x5e: {  	[tilespmem:$0x1FF40] =	vst v40;
	v4 =	vsel vm5, $0x28E, v0;
	v0 =	vsel vm0, $0x28D, v55;
	v57 =	vsel vm0, $0x30D, v1  }
0x5f: {  	v33 =	vmovc v16;
	[tilespmem:$0x1FF00] =	vst v6;
	v1 =	vsel vm11, $0x703, v60;
	v38 =	vsel vm5, $0x30E, v0;
	v0 =	vsel vm9, $0x785, v59  }
0x60: {  	[tilespmem:$0x1FE70] =	vst v33;
	v34 =	vmovc v23;
	v2 =	vsel vm9, $0x205, v2;
	v1 =	vsel vm10, $0x784, v1;
	v0 =	vsel vm8, $0x6, v0  }
0x61: {  	v27 =	vmovc v9;
	[tilespmem:$0x1FE20] =	vst v34;
	v2 =	vsel vm8, $0x286, v2;
	v1 =	vsel vm9, $0x5, v1;
	v0 =	vsel vm7, $0x87, v0  }
0x62: {  	v23 =	vmovc v11;
	[tilespmem:$0x1FE40] =	vst v27;
	v2 =	vsel vm7, $0x307, v2;
	v1 =	vsel vm8, $0x86, v1;
	v0 =	vsel vm6, $0x108, v0  }
0x63: {  	[tilespmem:$0x1FE50] =	vst v23;
	v25 =	vmovc v4;
	v4 =	vand.u32 $0xF, v53;
	v1 =	vsel vm7, $0x107, v1;
	v0 =	vsel vm4, $0x189, v0  }
0x64: {  	[tilespmem:$0x1FFB0] =	vst v17;
	v56 =	vor.u32 $0x4080, v22;
	v1 =	vsel vm6, $0x188, v1;
	v0 =	vsel vm3, $0x20A, v0  }
0x65: {  	[tilespmem:$0x1FDF0] =	vst v61;
	v55 =	vor.u32 $0x4000, v22;
	v1 =	vsel vm4, $0x209, v1;
	v0 =	vsel vm2, $0x28B, v0  }
0x66: {  	[tilespmem:$0x1FE90] =	vst v18;
	v29 =	vmovc v13;
	v60 =	vor.u32 $0x8480, v22;
	v1 =	vsel vm3, $0x28A, v1;
	v0 =	vsel vm1, $0x30C, v0  }
0x67: {  	[tilespmem:$0x1FE60] =	vst v29;
	v62 =	vsel vm2, $0x30B, v1;
	v1 =	vsel vm2, $0x38B, v44;
	v0 =	vsel vm0, $0x38D, v0  }
0x68: {  	v20 =	vmovc v36;
	[tilespmem:$0x1FDB0] =	vst v56;
	v8 =	vsel vm5, $0x38E, v57;
	v1 =	vsel vm1, $0x40C, v1;
	v36 =	vsel vm5, $0x40E, v0  }
0x69: {  	[tilespmem:$0x1FEE0] =	vst v4;
	v0 =	vsel vm1, $0x38C, v62;
	v46 =	vsel vm0, $0x48D, v1;
	v1 =	vsel vm11, $0x83, v49  }
0x6a: {  	[tilespmem:$0x1FDA0] =	vst v55;
	v57 =	vor.u32 $0x4100, v22;
	v0 =	vsel vm0, $0x40D, v0;
	v1 =	vsel vm10, $0x104, v1  }
0x6b: {  	[tilespmem:$0x1FF30] =	vst v60;
	v7 =	vsel vm5, $0x48E, v0;
	v0 =	vsel vm9, $0x105, v48;
	v1 =	vsel vm9, $0x185, v1  }
0x6c: {  	v59 =	vor.u32 $0x4200, v22;
	[tilespmem:$0x1FDC0] =	vst v57;
	v0 =	vsel vm8, $0x186, v0;
	v1 =	vsel vm8, $0x206, v1  }
0x6d: {  	v2 =	vsel vm6, $0x388, v2;
	v13 =	vmovc v8;
	[tilespmem:$0x1FDE0] =	vst v59;
	v0 =	vsel vm7, $0x207, v0;
	v1 =	vsel vm7, $0x287, v1  }
0x6e: {  	s11 =	simm.s32 $0x15300;
	s16 =	simm.s32 $0x4B00;
	v2 =	vsel vm4, $0x409, v2;
	[tilespmem:$0x1FFF0] =	vst v13;
	v8 =	vmovc v20;
	v0 =	vsel vm6, $0x288, v0;
	v1 =	vsel vm6, $0x308, v1  }
0x6f: {  	s15 =	simm.s32 $0x80;
	s17 =	simm.s32 $0x8B00;
	s5 =	smul.u32 $0x1900, s5;
	v52 =	vsel vm3, $0x48A, v2;
	v20 =	vmovc v38;
	[tilespmem:$0x1FE10] =	vst v8;
	v0 =	vsel vm4, $0x309, v0;
	v1 =	vsel vm4, $0x389, v1  }
0x70: {  	s18 =	simm.s32 $0x5;
	s19 =	simm.s32 $0x1;
	s20 =	simm.s32 $0xCB00;
	[tilespmem:$0x1FE80] =	vst v20;
	v62 =	vor.u32 $0x8600, v22;
	v0 =	vsel vm3, $0x38A, v0;
	v1 =	vsel vm3, $0x40A, v1  }
0x71: {  	s21 =	simm.s32 $0x32000;
	s22 =	simm.s32 $0x2;
	s6 =	sshrl.u32 s5, $0x3;
	[tilespmem:$0x1FE00] =	vst v62;
	v0 =	vsel vm2, $0x40B, v0;
	v51 =	vsel vm2, $0x48B, v1;
	v1 =	vsel vm2, $0x50B, v52  }
0x72: {  	s2 =	ssub.s32 $0x2, s2;
	s6 =	sadd.s32 s6, s0;
	s0 =	sadd.s32 $0x400, s0;
	v9 =	vsel vm5, $0x50E, v46;
	[tilespmem:$0x1FFE0] =	vst v36;
	v0 =	vsel vm1, $0x48C, v0;
	v1 =	vsel vm1, $0x58C, v1  }
.Ltmp0:
0x73: {  	[dreg:$0x4] =	wrdreg s0;
	s29 =	sadd.s32 $0x600, s6;
	[tilespmem:$0x1FFC0] =	vst v9;
	v30 =	vmov v7;
	v0 =	vsel vm0, $0x50D, v0;
	v54 =	vsel vm0, $0x60D, v1;
	(pc) =	sbr.rel .LBB2_1-.Ltmp0, $4  }
0x74: {  	s28 =	sshrl.u32 s2, $0x1;
	s30 =	sadd.s32 $0x6A00, s6;
	[dreg:$0x5] =	wrdreg s29;
	[tilespmem:$0x1FFD0] =	vst v30;
	v16 =	vsel vm5, $0x58E, v0;
	v0 =	vsel vm1, $0x50C, v51;
	v7 =	vsel vm5, $0x68E, v54  }
0x75: {  	s0 =	ssub.s32 s2, s28;
	s31 =	sadd.s32 $0xCE00, s6;
	[dreg:$0x6] =	wrdreg s30;
	v0 =	vsel vm0, $0x58D, v0;
	[tilespmem:$0x1FF10] =	vst v7  }
0x76: {  	s23 =	simm.s32 $0x10F00;
	[dreg:$0x7] =	wrdreg s31;
	s0 =	smax.u32 s0, $0x1;
	[tilespmem:$0x1FF90] =	vst v16;
	v12 =	vsel vm5, $0x60E, v0  }
0x77: {  	s25 =	simm.s32 $0x4;
	s26 =	simm.s32 $0x0;
	[dreg:$0x8] =	wrdreg s0;
	v11 =	vmov v32;
	v26 =	vmov v19;
	v22 =	vmov v39;
	[tilespmem:$0x1FF80] =	vst v12  }
.LBB2_12:
0x78: {  	s0 =	simm.s32 $0x3  }
0x79: {  	_ =	swait.ge [sflag:s0], $0x4280  }
0x7a: {  	[sflag:s0] =	ssyncset.done $0x0  }
0x7b: {  	[sflag:s0] =	ssyncadd.s32 $0xFFFFBD80  }
0x7c: {  	_ =	swait.ge [sflag:s25], $0x4280  }
0x7d: {  	s26 =	sadd.s32 $0x1, s26;
	s31 =	rddreg [dreg:$0x8];
	v20 =	vld [tilespmem:$0x1FE80]  }
0x7e: {  	v5 =	vld [tilespmem:$0x1FEC0];
	p0 =	sne.s32 s26, s31  }
.Ltmp1:
0x7f: {  	v9 =	vmov v16;
	v16 =	vld [tilespmem:$0x1FF90];
	(pc) =	sbr.rel @!p0 .LBB2_13-.Ltmp1, $4  }
0x80: {  	v4 =	vld [tilespmem:$0x1FEE0]  }
0x81: {  	v12 =	vld [tilespmem:$0x1FF80]  }
0x82: {  	[sflag:s25] =	ssyncset.done $0x0;
	v6 =	vld [tilespmem:$0x1FF00]  }
0x83: {  	v7 =	vld [tilespmem:$0x1FF10];
	[sflag:s25] =	ssyncadd.s32 $0xFFFFBD80  }
.LBB2_1:
0x84: {  	s0 =	rddreg [dreg:$0x5]  }
0x85: {  	[tilespmem:s4], [sflag:$0x6] =	stream.linear.gather [hbm4b:s0+s4], $0x1900, $0x38;
	[tilespmem:$0x15400] =	vst v63  }
0x86: {  	s10 =	rddreg [dreg:$0x4]  }
0x87: {  	[tilespmem:s11], [sflag:$0x5] =	stream.linear.gather [hbm4b:s10+s4], $0x100, $0x38;
	[tilespmem:$0x15400] =	vst v63  }
0x88: {  	s12 =	rddreg [dreg:$0x6];
	s2 =	simm.s32 $0x1900  }
0x89: {  	[tilespmem:s2], [sflag:$0x5] =	stream.linear.gather [hbm4b:s12+s4], $0x1900, $0x38;
	[tilespmem:$0x15400] =	vst v63  }
0x8a: {  	s13 =	rddreg [dreg:$0x7];
	s14 =	simm.s32 $0x3200;
	s24 =	simm.s32 $0x6  }
0x8b: {  	[tilespmem:s14], [sflag:$0x5] =	stream.linear.gather [hbm4b:s13+s4], $0x1900, $0x38;
	[tilespmem:$0x15400] =	vst v63  }
0x8c: {  	_ =	swait.ge [sflag:s24], $0x1900  }
0x8d: {  	[sflag:s24] =	ssyncset.done $0x0  }
0x8e: {  	[sflag:s24] =	ssyncadd.s32 $0xFFFFE700  }
0x8f: {  	[tilespmem:s16], [sflag:$0x1] =	stream.indirect.gather [hbm4b:s1+s15], $0x80, s4, s15, $0xb8;
	[tilespmem:$0x15400] =	vst v63  }
0x90: {  	_ = 	snop  }
0x91: {  	[tilespmem:s17], [sflag:$0x2] =	stream.indirect.gather [hbm4b:s1+s15], $0x80, s15, s15, $0xb8;
	[tilespmem:$0x15400] =	vst v63  }
0x92: {  	_ =	swait.ge [sflag:s18], $0x100  }
0x93: {  	[sflag:s18] =	ssyncset.done $0x0  }
0x94: {  	[sflag:s18] =	ssyncadd.s32 $0xFFFFFF00  }
0x95: {  	_ =	swait.ge [sflag:s18], $0x1900  }
0x96: {  	[sflag:s18] =	ssyncset.done $0x0  }
0x97: {  	[sflag:s18] =	ssyncadd.s32 $0xFFFFE700  }
0x98: {  	s28 =	simm.s32 $0x1910;
	_ =	swait.ge [sflag:s18], $0x1900  }
0x99: {  	s29 =	simm.s32 $0x3210;
	s30 =	simm.s32 $0x3290;
	[sflag:s18] =	ssyncset.done $0x0  }
0x9a: {  	s31 =	simm.s32 $0x1990;
	s2 =	simm.s32 $0x0;
	[sflag:s18] =	ssyncadd.s32 $0xFFFFE700  }
.LBB2_2:
0x9b: {  	s0 =	simm.s32 $0x0  }
0x9c: {  	s0 =	sand.u32 $0x7, s0  }
0x9d: {  	s6 =	sshll.u32 s0, $0xB  }
0x9e: {  	v19 =	vlaneseq.u32;
	s6 =	sadd.s32 $0x0, s6  }
0x9f: {  	v0 =	vor.u32 s6, v19;
	v1 =	vor.u32 s6, v15;
	v2 =	vor.u32 s6, v6  }
0xa0: {  	v3 =	vor.u32 s6, v63;
	v43 =	vor.u32 s6, v34;
	v44 =	vor.u32 s6, v42  }
0xa1: {  	v45 =	vor.u32 s6, v27;
	v46 =	vor.u32 s6, v23;
	v47 =	vor.u32 s6, v14  }
0xa2: {  	v48 =	vor.u32 s6, v33;
	v49 =	vor.u32 s6, v29;
	v50 =	vor.u32 s6, v21  }
0xa3: {  	v51 =	vor.u32 s6, v18;
	v52 =	vor.u32 s6, v22;
	v53 =	vor.u32 s6, v17  }
0xa4: {  	_ =	swait.ge [sflag:s19], $0x4000;
	v54 =	vor.u32 s6, v5;
	v1 =	vand.u32 $0x1FFFFF80, v1;
	v0 =	vand.u32 $0x7F, v0  }
0xa5: {  	p0 =	sne.s32 s2, $0x0;
	[sflag:s19] =	ssyncset.done $0x0;
	v55 =	vor.u32 s6, v4;
	v2 =	vand.u32 $0x7F, v2;
	v0 =	vor.u32 v0, v1  }
0xa6: {  	[sflag:s19] =	ssyncadd.s32 $0xFFFFC000;
	s6 =	simm.s32 @p0 $0x3;
	v3 =	vand.u32 $0x7F, v3;
	v49 =	vand.u32 $0x7F, v49;
	v2 =	vor.u32 v2, v1  }
0xa7: {  	v50 =	vand.u32 $0x7F, v50;
	_ =	swait.ge @p0 [sflag:s6], $0x4280;
	v3 =	vor.u32 v3, v1;
	v24 =	vor.u32 v49, v1  }
0xa8: {  	s7 =	simm.s32 $0x0;
	s0 =	sshll.u32 s0, $0x4;
	[sflag:s6] =	ssyncset.done @p0 $0x0;
	[tilespmem:$0x1FD30] =	vst v24;
	v24 =	vor.u32 v50, v1  }
0xa9: {  	s0 =	sor.u32 s7, s0;
	v43 =	vand.u32 $0x7F, v43;
	v51 =	vand.u32 $0x7F, v51;
	[sflag:s6] =	ssyncadd.s32 @p0 $0xFFFFBD80;
	[tilespmem:$0x1FD40] =	vst v24  }
0xaa: {  	v43 =	vor.u32 v43, v1;
	v40 =	vor.u32 v51, v1;
	v51 =	vld.idx.msk [tilespmem:v0+s16+$0x0], $0xffff;
	v0 =	vor.u32 s0, v41  }
0xab: {  	v61 =	vor.u32 s0, v7;
	v2 =	vld.idx.msk [tilespmem:v2+s16+$0x0], $0xffff;
	[tilespmem:$0x1FD50] =	vst v0;
	v0 =	vor.u32 s0, v26  }
0xac: {  	v59 =	vor.u32 s0, v8;
	v47 =	vand.u32 $0x7F, v47;
	v3 =	vld.idx.msk [tilespmem:v3+s16+$0x0], $0xffff;
	[tilespmem:$0x1FD60] =	vst v0;
	v0 =	vor.u32 s0, v25  }
0xad: {  	v48 =	vand.u32 $0x7F, v48;
	v53 =	vand.u32 $0x7F, v53;
	[tilespmem:$0x1FD70] =	vst v0;
	v0 =	vor.u32 s0, v20  }
0xae: {  	v57 =	vor.u32 v47, v1;
	v32 =	vor.u32 v53, v1;
	v53 =	vor.u32 s0, v11;
	[tilespmem:$0x1FD80] =	vst v0  }
0xaf: {  	v62 =	vor.u32 v48, v1;
	v48 =	vor.u32 s0, v28;
	s6 =	simm.s32 $0x1;
	v0 =	vor.u32 s0, v13;
	v47 =	vld.idx.msk [tilespmem:v43+s16+$0x0], $0xffff  }
0xb0: {  	s14 =	sand.u32 $0x7, s6;
	[tilespmem:$0x1FD90] =	vst v0  }
0xb1: {  	v44 =	vand.u32 $0x7F, v44;
	s8 =	sshll.u32 s14, $0xB;
	[tilespmem:v61+s20+$0x0] =	vst.idx.msk $0xffff, v2  }
0xb2: {  	v52 =	vand.u32 $0x7F, v52;
	v44 =	vor.u32 v44, v1;
	s8 =	sadd.s32 $0x0, s8;
	[tilespmem:v59+s20+$0x0] =	vst.idx.msk $0xffff, v51  }
0xb3: {  	v35 =	vor.u32 v52, v1;
	v52 =	vor.u32 s8, v15;
	v0 =	vor.u32 s8, v6;
	[tilespmem:v53+s20+$0x0] =	vst.idx.msk $0xffff, v3  }
0xb4: {  	v61 =	vand.u32 $0x1FFFFF80, v52;
	v0 =	vand.u32 $0x7F, v0;
	[tilespmem:v48+s20+$0x0] =	vst.idx.msk $0xffff, v47  }
0xb5: {  	v51 =	vor.u32 v0, v61;
	v0 =	vld [tilespmem:$0x1FD30]  }
0xb6: {  	v45 =	vand.u32 $0x7F, v45;
	v46 =	vand.u32 $0x7F, v46;
	v54 =	vand.u32 $0x7F, v54  }
0xb7: {  	v55 =	vand.u32 $0x7F, v55;
	v58 =	vor.u32 v45, v1;
	v56 =	vor.u32 v46, v1  }
0xb8: {  	v31 =	vor.u32 v55, v1;
	v55 =	vor.u32 s0, v10;
	v24 =	vor.u32 v54, v1;
	v1 =	vld.idx.msk [tilespmem:v44+s16+$0x0], $0xffff;
	_ =	sdelay $0x4  }
0xb9: {  	[tilespmem:v55+s20+$0x0] =	vst.idx.msk $0xffff, v1;
	v47 =	vld.idx.msk [tilespmem:v0+s16+$0x0], $0xffff  }
0xba: {  	v0 =	vld [tilespmem:$0x1FD40];
	_ =	sdelay $0x2  }
0xbb: {  	v60 =	vor.u32 s0, v37;
	v2 =	vld.idx.msk [tilespmem:v58+s16+$0x0], $0xffff;
	_ =	sdelay $0x4  }
0xbc: {  	[tilespmem:v60+s20+$0x0] =	vst.idx.msk $0xffff, v2;
	v55 =	vld.idx.msk [tilespmem:v0+s16+$0x0], $0xffff  }
0xbd: {  	v0 =	vld [tilespmem:$0x1FD50];
	_ =	sdelay $0x2  }
0xbe: {  	v56 =	vld.idx.msk [tilespmem:v56+s16+$0x0], $0xffff;
	_ =	sdelay $0x4  }
0xbf: {  	[tilespmem:v0+s20+$0x0] =	vst.idx.msk $0xffff, v56  }
0xc0: {  	v2 =	vld [tilespmem:$0x1FD60];
	_ =	sdelay $0x2  }
0xc1: {  	v49 =	vld.idx.msk [tilespmem:v57+s16+$0x0], $0xffff;
	_ =	sdelay $0x4  }
0xc2: {  	[tilespmem:v2+s20+$0x0] =	vst.idx.msk $0xffff, v49  }
0xc3: {  	v45 =	vor.u32 s0, v9;
	v9 =	vld [tilespmem:$0x1FD70];
	_ =	sdelay $0x2  }
0xc4: {  	v3 =	vld.idx.msk [tilespmem:v62+s16+$0x0], $0xffff;
	_ =	sdelay $0x4  }
0xc5: {  	[tilespmem:v9+s20+$0x0] =	vst.idx.msk $0xffff, v3  }
0xc6: {  	v9 =	vld [tilespmem:$0x1FD80]  }
0xc7: {  	v39 =	vor.u32 s0, v36  }
0xc8: {  	v38 =	vor.u32 s0, v30;
	v54 =	vor.u32 s8, v63;
	v50 =	vor.u32 s8, v29  }
0xc9: {  	v63 =	vor.u32 s8, v21;
	v50 =	vand.u32 $0x7F, v50;
	v43 =	vor.u32 s0, v12  }
0xca: {  	v44 =	vor.u32 s0, v16;
	v58 =	vor.u32 s8, v19;
	v57 =	vor.u32 s8, v34  }
0xcb: {  	v59 =	vor.u32 s8, v42;
	v19 =	vor.u32 s8, v14;
	v52 =	vor.u32 s8, v33  }
0xcc: {  	v42 =	vor.u32 s8, v22;
	v53 =	vor.u32 s8, v27;
	v62 =	vor.u32 s8, v23  }
0xcd: {  	v58 =	vand.u32 $0x7F, v58;
	v57 =	vand.u32 $0x7F, v57;
	v59 =	vand.u32 $0x7F, v59  }
0xce: {  	v52 =	vand.u32 $0x7F, v52;
	v48 =	vor.u32 s8, v18;
	v1 =	vld.idx.msk [tilespmem:v40+s16+$0x0], $0xffff;
	v56 =	vor.u32 s8, v5;
	[tilespmem:v9+s20+$0x0] =	vst.idx.msk $0xffff, v47  }
0xcf: {  	s24 =	simm.s32 $0x0;
	s7 =	sshll.u32 s14, $0x4;
	v48 =	vand.u32 $0x7F, v48;
	v40 =	vand.u32 $0x7F, v42;
	v42 =	vand.u32 $0x7F, v56;
	v9 =	vld [tilespmem:$0x1FD90]  }
0xd0: {  	s7 =	sor.u32 s24, s7;
	v60 =	vor.u32 s8, v17;
	v0 =	vor.u32 s8, v4;
	v46 =	vor.u32 v42, v61  }
0xd1: {  	v2 =	vand.u32 $0x7F, v54;
	v3 =	vld.idx.msk [tilespmem:v51+s16+$0x0], $0xffff;
	v51 =	vand.u32 $0x7F, v53;
	v53 =	vor.u32 s7, v7  }
0xd2: {  	v54 =	vand.u32 $0x7F, v62;
	v62 =	vor.u32 v59, v61;
	v2 =	vor.u32 v2, v61  }
0xd3: {  	v56 =	vor.u32 v54, v61;
	v54 =	vor.u32 v52, v61;
	v52 =	vor.u32 v50, v61  }
0xd4: {  	v49 =	vand.u32 $0x7F, v63;
	v47 =	vand.u32 $0x7F, v19;
	v19 =	vor.u32 v58, v61;
	[tilespmem:v39+s20+$0x0] =	vst.idx.msk $0xffff, v1;
	v1 =	vld.idx.msk [tilespmem:v35+s16+$0x0], $0xffff  }
0xd5: {  	v42 =	vmovc v29;
	v59 =	vld.idx.msk [tilespmem:v24+s16+$0x0], $0xffff;
	v50 =	vor.u32 v48, v61;
	v58 =	vor.u32 v51, v61;
	v39 =	vand.u32 $0x7F, v60  }
0xd6: {  	v63 =	vor.u32 s7, v11;
	v51 =	vor.u32 v49, v61;
	v49 =	vor.u32 v40, v61;
	[tilespmem:v53+s20+$0x0] =	vst.idx.msk $0xffff, v3  }
0xd7: {  	v24 =	vmovc v7;
	v40 =	vmov v6;
	[tilespmem:v9+s20+$0x0] =	vst.idx.msk $0xffff, v55;
	v9 =	vand.u32 $0x7F, v0;
	v0 =	vor.u32 v57, v61  }
0xd8: {  	v53 =	vor.u32 s7, v8;
	v60 =	vld.idx.msk [tilespmem:v32+s16+$0x0], $0xffff;
	v35 =	vmovc v14;
	v48 =	vor.u32 v39, v61;
	v39 =	vmovc v23;
	v23 =	vmov v33  }
0xd9: {  	v33 =	vmovc v21;
	v21 =	vmov v5;
	[tilespmem:v38+s20+$0x0] =	vst.idx.msk $0xffff, v1;
	v1 =	vld.idx.msk [tilespmem:v19+s16+$0x0], $0xffff;
	v38 =	vmov v4;
	v19 =	vmov v27  }
0xda: {  	s12 =	simm.s32 $0x10;
	s0 =	sshll.u32 s2, $0x8;
	s8 =	simm.s32 $0x10;
	v55 =	vor.u32 v47, v61;
	v57 =	vld.idx.msk [tilespmem:v31+s16+$0x0], $0xffff;
	v31 =	vmovc v18;
	v47 =	vor.u32 v9, v61;
	v61 =	vor.u32 s7, v28  }
.LBB2_3:
0xdb: {  	v2 =	vld.idx.msk [tilespmem:v2+s16+$0x0], $0xffff  }
0xdc: {  	v3 =	vor.u32 s7, v10;
	v4 =	vor.u32 s7, v37;
	v5 =	vor.u32 s7, v41;
	v0 =	vld.idx.msk [tilespmem:v0+s16+$0x0], $0xffff  }
0xdd: {  	s8 =	sadd.s32 $0x10, s8;
	s6 =	sadd.s32 $0x1, s6;
	v6 =	vor.u32 s7, v25;
	v7 =	vor.u32 s7, v20;
	v29 =	vor.u32 s7, v36;
	v14 =	vld [tilespmem:$0x1FFC0]  }
0xde: {  	v9 =	vor.u32 s7, v30;
	v32 =	vmovc v20;
	v20 =	vmov v10;
	v27 =	vmov v37;
	v56 =	vld.idx.msk [tilespmem:v56+s16+$0x0], $0xffff;
	s9 =	sshrl.u32 s8, $0x7;
	s10 =	sand.u32 $0x7, s6;
	[tilespmem:v45+s20+$0x0] =	vst.idx.msk $0xffff, v60  }
0xdf: {  	v37 =	vmovc v36;
	v36 =	vmov v28;
	v28 =	vmov v11;
	s13 =	sshll.u32 s9, $0x4;
	s14 =	sshll.u32 s10, $0xB;
	v60 =	vor.u32 s7, v26;
	[tilespmem:v44+s20+$0x0] =	vst.idx.msk $0xffff, v59;
	v59 =	vld.idx.msk [tilespmem:v62+s16+$0x0], $0xffff  }
0xe0: {  	v18 =	vmovc v34;
	s13 =	sadd.s32 s13, s14;
	v62 =	vor.u32 s7, v13;
	[tilespmem:v43+s20+$0x0] =	vst.idx.msk $0xffff, v57;
	v57 =	vld.idx.msk [tilespmem:v58+s16+$0x0], $0xffff;
	v44 =	vor.u32 s7, v16;
	v43 =	vor.u32 s7, v12  }
0xe1: {  	v10 =	vor.u32 s13, v15;
	v11 =	vor.u32 s13, v40;
	[tilespmem:v53+s20+$0x0] =	vst.idx.msk $0xffff, v1;
	v53 =	vor.u32 s13, v34;
	v34 =	vmovc v41;
	v41 =	vmovc v25  }
0xe2: {  	v12 =	vld [tilespmem:$0x1FF50];
	v25 =	vmovc v26;
	v26 =	vmovc v30;
	v30 =	vmov v13;
	v13 =	vor.u32 s13, v35;
	v15 =	vor.u32 s13, v22  }
0xe3: {  	v1 =	vld.idx.msk [tilespmem:v55+s16+$0x0], $0xffff;
	v16 =	vor.u32 s13, v17;
	v17 =	vor.u32 s13, v38;
	v45 =	vor.u32 s7, v14  }
0xe4: {  	v14 =	vlaneseq.u32;
	v10 =	vand.u32 $0x1FFFFF80, v10;
	v11 =	vand.u32 $0x7F, v11;
	[tilespmem:v63+s20+$0x0] =	vst.idx.msk $0xffff, v2;
	v2 =	vld.idx.msk [tilespmem:v54+s16+$0x0], $0xffff  }
0xe5: {  	v54 =	vor.u32 s13, v19;
	v63 =	vor.u32 s13, v39;
	[tilespmem:v61+s20+$0x0] =	vst.idx.msk $0xffff, v0;
	v0 =	vld.idx.msk [tilespmem:v52+s16+$0x0], $0xffff;
	v52 =	vor.u32 s13, v23  }
0xe6: {  	s24 =	sshll.u32 s10, $0x4;
	s14 =	sshll.u32 s9, $0xB;
	v61 =	vor.u32 s13, v42;
	[tilespmem:v5+s20+$0x0] =	vst.idx.msk $0xffff, v56;
	v5 =	vld.idx.msk [tilespmem:v49+s16+$0x0], $0xffff;
	v49 =	vand.u32 $0x7F, v53;
	v15 =	vand.u32 $0x7F, v15  }
0xe7: {  	s7 =	sor.u32 s14, s24;
	v17 =	vand.u32 $0x7F, v17;
	v58 =	vor.u32 s13, v14;
	v14 =	vld [tilespmem:$0x1FE30];
	v11 =	vor.u32 v11, v10  }
0xe8: {  	v56 =	vor.u32 s7, v24;
	v53 =	vor.u32 s7, v8;
	v12 =	vor.u32 s13, v12;
	[tilespmem:v3+s20+$0x0] =	vst.idx.msk $0xffff, v59;
	v3 =	vld.idx.msk [tilespmem:v51+s16+$0x0], $0xffff  }
0xe9: {  	v51 =	vor.u32 s13, v31;
	[tilespmem:v4+s20+$0x0] =	vst.idx.msk $0xffff, v57;
	v4 =	vld.idx.msk [tilespmem:v50+s16+$0x0], $0xffff;
	v50 =	vand.u32 $0x7F, v58;
	v58 =	vor.u32 s13, v21  }
0xea: {  	[tilespmem:v60+s20+$0x0] =	vst.idx.msk $0xffff, v1;
	v1 =	vand.u32 $0x7F, v54;
	v54 =	vand.u32 $0x7F, v63;
	v60 =	vld.idx.msk [tilespmem:v48+s16+$0x0], $0xffff;
	v48 =	vand.u32 $0x7F, v61  }
0xeb: {  	v57 =	vld.idx.msk [tilespmem:v47+s16+$0x0], $0xffff;
	v47 =	vor.u32 v17, v10;
	v12 =	vand.u32 $0x7F, v12;
	[tilespmem:v6+s20+$0x0] =	vst.idx.msk $0xffff, v2;
	v6 =	vand.u32 $0x7F, v13  }
0xec: {  	v13 =	vand.u32 $0x7F, v52;
	[tilespmem:v7+s20+$0x0] =	vst.idx.msk $0xffff, v0;
	v0 =	vor.u32 v49, v10;
	v52 =	vor.u32 v48, v10  }
0xed: {  	v49 =	vor.u32 v15, v10;
	v55 =	vor.u32 s13, v14;
	v14 =	vor.u32 s13, v33;
	v11 =	vld.idx.msk [tilespmem:v11+s16+$0x0], $0xffff  }
0xee: {  	v2 =	vor.u32 v12, v10;
	v55 =	vand.u32 $0x7F, v55;
	v7 =	vand.u32 $0x7F, v14  }
0xef: {  	v59 =	vld.idx.msk [tilespmem:v46+s16+$0x0], $0xffff;
	v14 =	vand.u32 $0x7F, v51;
	v51 =	vor.u32 v7, v10;
	[tilespmem:v62+s20+$0x0] =	vst.idx.msk $0xffff, v3;
	v3 =	vand.u32 $0x7F, v16  }
0xf0: {  	p0 =	slt.u32 s8, $0x3F0;
	v16 =	vand.u32 $0x7F, v58;
	[tilespmem:v29+s20+$0x0] =	vst.idx.msk $0xffff, v4;
	v4 =	vor.u32 v50, v10;
	v62 =	vor.u32 v55, v10  }
.Ltmp2:
0xf1: {  	v17 =	vld [tilespmem:$0x1FFB0];
	v58 =	vor.u32 v1, v10;
	v55 =	vor.u32 v6, v10;
	v50 =	vor.u32 v14, v10;
	(pc) =	sbr.rel @p0 .LBB2_3-.Ltmp2, $4  }
0xf2: {  	v15 =	vld [tilespmem:$0x1FFA0];
	v48 =	vor.u32 v3, v10;
	v46 =	vor.u32 v16, v10;
	[tilespmem:v56+s20+$0x0] =	vst.idx.msk $0xffff, v11;
	v11 =	vmov v28  }
0xf3: {  	v12 =	vld [tilespmem:$0x1FF80];
	v28 =	vmovc v36;
	v36 =	vmovc v37;
	v37 =	vmov v27;
	v56 =	vor.u32 v54, v10;
	v54 =	vor.u32 v13, v10  }
0xf4: {  	[tilespmem:v9+s20+$0x0] =	vst.idx.msk $0xffff, v5;
	v16 =	vld [tilespmem:$0x1FF90];
	v13 =	vmovc v30;
	v30 =	vmovc v26;
	v26 =	vmov v25;
	v25 =	vmov v41;
	v41 =	vmov v34  }
0xf5: {  	v34 =	vmovc v18;
	v10 =	vmovc v20;
	v20 =	vmov v32;
	v63 =	vor.u32 s7, v11;
	v61 =	vor.u32 s7, v28;
	v1 =	vld.idx.msk [tilespmem:v4+s16+$0x0], $0xffff  }
0xf6: {  	_ =	sdelay $0x3  }
0xf7: {  	v2 =	vld.idx.msk [tilespmem:v2+s16+$0x0], $0xffff  }
0xf8: {  	[tilespmem:v45+s20+$0x0] =	vst.idx.msk $0xffff, v60;
	v0 =	vld.idx.msk [tilespmem:v0+s16+$0x0], $0xffff  }
0xf9: {  	v3 =	vor.u32 s7, v10;
	[tilespmem:v44+s20+$0x0] =	vst.idx.msk $0xffff, v59;
	v4 =	vld.idx.msk [tilespmem:v62+s16+$0x0], $0xffff  }
0xfa: {  	v5 =	vor.u32 s7, v37;
	[tilespmem:v43+s20+$0x0] =	vst.idx.msk $0xffff, v57;
	v6 =	vld.idx.msk [tilespmem:v58+s16+$0x0], $0xffff  }
0xfb: {  	v7 =	vor.u32 s7, v41;
	v8 =	vld.idx.msk [tilespmem:v56+s16+$0x0], $0xffff;
	[tilespmem:v53+s20+$0x0] =	vst.idx.msk $0xffff, v1  }
0xfc: {  	v9 =	vld.idx.msk [tilespmem:v55+s16+$0x0], $0xffff;
	v1 =	vor.u32 s7, v26;
	[tilespmem:v63+s20+$0x0] =	vst.idx.msk $0xffff, v2  }
0xfd: {  	[tilespmem:v61+s20+$0x0] =	vst.idx.msk $0xffff, v0  }
0xfe: {  	[tilespmem:v3+s20+$0x0] =	vst.idx.msk $0xffff, v4  }
0xff: {  	v45 =	vld.idx.msk [tilespmem:v54+s16+$0x0], $0xffff;
	[tilespmem:v5+s20+$0x0] =	vst.idx.msk $0xffff, v6  }
0x100: {  	v11 =	vld.idx.msk [tilespmem:v52+s16+$0x0], $0xffff;
	v0 =	vor.u32 s7, v20;
	[tilespmem:v7+s20+$0x0] =	vst.idx.msk $0xffff, v8  }
0x101: {  	v3 =	vor.u32 s7, v13;
	v4 =	vld.idx.msk [tilespmem:v51+s16+$0x0], $0xffff;
	[tilespmem:v1+s20+$0x0] =	vst.idx.msk $0xffff, v9  }
0x102: {  	v2 =	vor.u32 s7, v25;
	v35 =	vld [tilespmem:$0x1FFC0]  }
0x103: {  	v53 =	vld.idx.msk [tilespmem:v50+s16+$0x0], $0xffff;
	v5 =	vor.u32 s7, v36  }
0x104: {  	v54 =	vor.u32 s7, v30;
	v55 =	vld.idx.msk [tilespmem:v49+s16+$0x0], $0xffff  }
0x105: {  	v56 =	vor.u32 s7, v16;
	[tilespmem:v0+s20+$0x0] =	vst.idx.msk $0xffff, v11;
	v0 =	vld.idx.msk [tilespmem:v46+s16+$0x0], $0xffff  }
0x106: {  	v57 =	vor.u32 s7, v12;
	[tilespmem:v3+s20+$0x0] =	vst.idx.msk $0xffff, v4;
	v3 =	vld.idx.msk [tilespmem:v47+s16+$0x0], $0xffff  }
0x107: {  	[tilespmem:v2+s20+$0x0] =	vst.idx.msk $0xffff, v45;
	v2 =	vld.idx.msk [tilespmem:v48+s16+$0x0], $0xffff;
	v1 =	vor.u32 s7, v35  }
0x108: {  	[tilespmem:v5+s20+$0x0] =	vst.idx.msk $0xffff, v53  }
0x109: {  	[tilespmem:v54+s20+$0x0] =	vst.idx.msk $0xffff, v55  }
0x10a: {  	[tilespmem:v56+s20+$0x0] =	vst.idx.msk $0xffff, v0  }
0x10b: {  	[tilespmem:v57+s20+$0x0] =	vst.idx.msk $0xffff, v3  }
0x10c: {  	[tilespmem:v1+s20+$0x0] =	vst.idx.msk $0xffff, v2  }
0x10d: {  	v0 =	vld [tilespmem:s28+$0x0];
	_ =	sdelay $0x4  }
0x10e: {  	v16 =	vld [tilespmem:$0x1FDA0];
	v0 =	vshll.u32 v0, $0x2;
	_ =	sdelay $0x3  }
0x10f: {  	v1 =	vld [tilespmem:s28+$0xFFFFFFF0]  }
0x110: {  	v3 =	vor.u32 s12, v16;
	v2 =	vld.idx.msk [tilespmem:v0+s11+$0x0], $0xffff;
	_ =	sdelay $0x4  }
0x111: {  	v1 =	vshll.u32 v1, $0x2;
	[tilespmem:v3+s20+$0x0] =	vst.idx.msk $0xffff, v2  }
0x112: {  	v4 =	vor.u32 $0x1, v0;
	v20 =	vld [tilespmem:$0x1FDB0];
	_ =	sdelay $0x1  }
0x113: {  	s14 =	sadd.s32 $0x20, s28  }
0x114: {  	s8 =	simm.s32 $0x0;
	v5 =	vld [tilespmem:s14+$0x0]  }
0x115: {  	v58 =	vor.u32 s8, v16;
	v6 =	vld.idx.msk [tilespmem:v1+s11+$0x0], $0xffff  }
0x116: {  	v2 =	vld.idx.msk [tilespmem:v4+s11+$0x0], $0xffff;
	v3 =	vor.u32 s12, v20;
	_ =	sdelay $0x3  }
0x117: {  	v59 =	vor.u32 $0x1, v1;
	[tilespmem:v58+s20+$0x0] =	vst.idx.msk $0xffff, v6  }
0x118: {  	v8 =	vld [tilespmem:s14+$0xFFFFFFF0];
	v45 =	vshll.u32 v5, $0x2;
	[tilespmem:v3+s20+$0x0] =	vst.idx.msk $0xffff, v2  }
0x119: {  	v4 =	vor.u32 $0x2, v0;
	v21 =	vld [tilespmem:$0x1FDC0];
	_ =	sdelay $0x2  }
0x11a: {  	s6 =	simm.s32 $0x30;
	v7 =	vld.idx.msk [tilespmem:v59+s11+$0x0], $0xffff;
	v63 =	vor.u32 s8, v20  }
0x11b: {  	v31 =	vld.idx.msk [tilespmem:v45+s11+$0x0], $0xffff;
	v3 =	vor.u32 s6, v16  }
0x11c: {  	v5 =	vshll.u32 v8, $0x2;
	v2 =	vld.idx.msk [tilespmem:v4+s11+$0x0], $0xffff;
	v32 =	vor.u32 s12, v21;
	_ =	sdelay $0x1  }
0x11d: {  	v60 =	vmov v30;
	s10 =	sadd.s32 $0x20, s14;
	v30 =	vor.u32 $0x2, v1  }
0x11e: {  	v11 =	vld [tilespmem:s10+$0x0];
	[tilespmem:v63+s20+$0x0] =	vst.idx.msk $0xffff, v7  }
0x11f: {  	v33 =	vld [tilespmem:s10+$0xFFFFFFF0];
	[tilespmem:v3+s20+$0x0] =	vst.idx.msk $0xffff, v31  }
0x120: {  	s24 =	simm.s32 $0x20;
	v12 =	vld.idx.msk [tilespmem:v5+s11+$0x0], $0xffff;
	v4 =	vor.u32 $0x1, v45;
	[tilespmem:v32+s20+$0x0] =	vst.idx.msk $0xffff, v2  }
0x121: {  	v61 =	vmov v13;
	v13 =	vor.u32 s24, v16;
	v0 =	vor.u32 $0x3, v0;
	v24 =	vld [tilespmem:$0x1FDD0]  }
0x122: {  	v27 =	vmovc v41;
	v41 =	vmov v36;
	v14 =	vor.u32 $0x1, v5;
	v8 =	vld.idx.msk [tilespmem:v30+s11+$0x0], $0xffff;
	v36 =	vor.u32 s8, v21;
	_ =	sdelay $0x1  }
0x123: {  	v52 =	vshll.u32 v11, $0x2  }
0x124: {  	v1 =	vor.u32 $0x3, v1;
	v3 =	vld.idx.msk [tilespmem:v4+s11+$0x0], $0xffff  }
0x125: {  	v6 =	vshll.u32 v33, $0x2;
	v4 =	vld.idx.msk [tilespmem:v0+s11+$0x0], $0xffff;
	[tilespmem:v13+s20+$0x0] =	vst.idx.msk $0xffff, v12;
	v39 =	vor.u32 s12, v24  }
0x126: {  	v2 =	vor.u32 s6, v20;
	[tilespmem:v36+s20+$0x0] =	vst.idx.msk $0xffff, v8;
	v12 =	vld.idx.msk [tilespmem:v14+s11+$0x0], $0xffff  }
0x127: {  	v38 =	vor.u32 $0x2, v45;
	v63 =	vor.u32 s24, v20;
	v13 =	vld [tilespmem:$0x1FDE0]  }
0x128: {  	v51 =	vor.u32 $0x2, v5;
	v48 =	vor.u32 $0x3, v5;
	v0 =	vld.idx.msk [tilespmem:v52+s11+$0x0], $0xffff  }
0x129: {  	s7 =	simm.s32 $0x50;
	v53 =	vor.u32 $0x1, v6;
	v56 =	vor.u32 $0x2, v6;
	v54 =	vld.idx.msk [tilespmem:v1+s11+$0x0], $0xffff;
	v46 =	vor.u32 s8, v24  }
0x12a: {  	s13 =	simm.s32 $0x40;
	v50 =	vor.u32 $0x3, v6;
	v59 =	vor.u32 s7, v16;
	v49 =	vor.u32 s24, v21;
	v1 =	vld.idx.msk [tilespmem:v6+s11+$0x0], $0xffff;
	[tilespmem:v39+s20+$0x0] =	vst.idx.msk $0xffff, v4  }
0x12b: {  	v62 =	vmovc v37;
	v34 =	vmovc v26;
	v58 =	vor.u32 s6, v21;
	[tilespmem:v2+s20+$0x0] =	vst.idx.msk $0xffff, v3;
	v2 =	vor.u32 s13, v16;
	v3 =	vor.u32 $0x1, v52;
	v55 =	vld [tilespmem:s29+$0x0]  }
0x12c: {  	v37 =	vmovc v25;
	s9 =	simm.s32 $0x4;
	s10 =	sadd.s32 $0x20, s10;
	v47 =	vor.u32 s24, v24;
	v57 =	vld.idx.msk [tilespmem:v38+s11+$0x0], $0xffff;
	v44 =	vor.u32 s8, v13;
	v43 =	vor.u32 s24, v13;
	[tilespmem:v63+s20+$0x0] =	vst.idx.msk $0xffff, v12;
	s8 =	smov.u32 s29  }
.LBB2_5:
0x12d: {  	v4 =	vld [tilespmem:s10+$0x0];
	v5 =	vor.u32 s13, v20;
	v6 =	vor.u32 $0x3, v45;
	v7 =	vor.u32 s12, v13;
	v45 =	vmovc v52;
	s12 =	smov.u32 s6;
	s6 =	smov.u32 s7  }
0x12e: {  	v9 =	vor.u32 s13, v21;
	v10 =	vor.u32 s13, v13;
	v8 =	vld [tilespmem:s10+$0xFFFFFFF0];
	[tilespmem:v46+s20+$0x0] =	vst.idx.msk $0xffff, v54;
	v46 =	vmovc v47;
	v47 =	vor.u32 s13, v24  }
0x12f: {  	s9 =	sadd.s32 $0x2, s9;
	v11 =	vld.idx.msk [tilespmem:v51+s11+$0x0], $0xffff;
	v51 =	vmov v56  }
0x130: {  	p0 =	slt.u32 s9, $0x6;
	[tilespmem:v59+s20+$0x0] =	vst.idx.msk $0xffff, v0;
	v0 =	vld [tilespmem:s8+$0xFFFFFFF0];
	v12 =	vcvt.s32.f32 v55  }
0x131: {  	v3 =	vld.idx.msk [tilespmem:v3+s11+$0x0], $0xffff;
	[tilespmem:v58+s20+$0x0] =	vst.idx.msk $0xffff, v57  }
0x132: {  	v52 =	vshll.u32 v4, $0x2;
	v4 =	vor.u32 s7, v20;
	v6 =	vld.idx.msk [tilespmem:v6+s11+$0x0], $0xffff;
	[tilespmem:v7+s20+$0x0] =	vst.idx.msk $0xffff, v12  }
0x133: {  	v7 =	vshll.u32 v8, $0x2;
	[tilespmem:v2+s20+$0x0] =	vst.idx.msk $0xffff, v1;
	v1 =	vor.u32 $0x2, v45;
	v2 =	vor.u32 s12, v24  }
0x134: {  	v56 =	vor.u32 $0x2, v7;
	v8 =	vor.u32 $0x3, v7;
	v12 =	vld.idx.msk [tilespmem:v53+s11+$0x0], $0xffff;
	v53 =	vor.u32 $0x1, v7  }
0x135: {  	[tilespmem:v49+s20+$0x0] =	vst.idx.msk $0xffff, v11;
	v11 =	vcvt.s32.f32 v0;
	v49 =	vmov v9  }
.Ltmp3:
0x136: {  	v54 =	vld.idx.msk [tilespmem:v48+s11+$0x0], $0xffff;
	v48 =	vmov v50;
	v50 =	vmov v8;
	(pc) =	sbr.rel @p0 .LBB2_5-.Ltmp3, $4  }
0x137: {  	v0 =	vld.idx.msk [tilespmem:v52+s11+$0x0], $0xffff;
	[tilespmem:v4+s20+$0x0] =	vst.idx.msk $0xffff, v3  }
0x138: {  	s8 =	sadd.s32 $0x20, s8;
	s7 =	sadd.s32 $0x20, s7;
	v57 =	vld.idx.msk [tilespmem:v1+s11+$0x0], $0xffff;
	[tilespmem:v2+s20+$0x0] =	vst.idx.msk $0xffff, v6  }
0x139: {  	s13 =	sadd.s32 $0xFFFFFFF0, s7;
	v59 =	vor.u32 s7, v16;
	v55 =	vld [tilespmem:s8+$0x0];
	[tilespmem:v44+s20+$0x0] =	vst.idx.msk $0xffff, v11;
	v44 =	vmov v43;
	v43 =	vmov v10  }
0x13a: {  	s10 =	sadd.s32 $0x20, s10;
	v58 =	vor.u32 s6, v21;
	v3 =	vor.u32 $0x1, v52;
	v2 =	vor.u32 s13, v16;
	v1 =	vld.idx.msk [tilespmem:v7+s11+$0x0], $0xffff;
	[tilespmem:v5+s20+$0x0] =	vst.idx.msk $0xffff, v12  }
0x13b: {  	_ =	sdelay $0x3  }
0x13c: {  	[tilespmem:v59+s20+$0x0] =	vst.idx.msk $0xffff, v0  }
0x13d: {  	v0 =	vld.idx.msk [tilespmem:v3+s11+$0x0], $0xffff;
	v3 =	vor.u32 s7, v20;
	[tilespmem:v2+s20+$0x0] =	vst.idx.msk $0xffff, v1  }
0x13e: {  	v1 =	vor.u32 s13, v20;
	v2 =	vor.u32 $0x2, v52;
	v4 =	vld.idx.msk [tilespmem:v53+s11+$0x0], $0xffff;
	_ =	sdelay $0x3  }
0x13f: {  	v5 =	vor.u32 $0x3, v45;
	v6 =	vld.idx.msk [tilespmem:v51+s11+$0x0], $0xffff;
	[tilespmem:v3+s20+$0x0] =	vst.idx.msk $0xffff, v0  }
0x140: {  	v0 =	vld.idx.msk [tilespmem:v2+s11+$0x0], $0xffff;
	[tilespmem:v1+s20+$0x0] =	vst.idx.msk $0xffff, v4;
	v1 =	vor.u32 s7, v21  }
0x141: {  	v3 =	vor.u32 $0x3, v52  }
0x142: {  	v2 =	vor.u32 s13, v21;
	v4 =	vld.idx.msk [tilespmem:v56+s11+$0x0], $0xffff  }
0x143: {  	[tilespmem:v58+s20+$0x0] =	vst.idx.msk $0xffff, v57  }
0x144: {  	v7 =	vor.u32 s6, v24;
	v5 =	vld.idx.msk [tilespmem:v5+s11+$0x0], $0xffff;
	[tilespmem:v49+s20+$0x0] =	vst.idx.msk $0xffff, v6  }
0x145: {  	v6 =	vld.idx.msk [tilespmem:v48+s11+$0x0], $0xffff;
	[tilespmem:v1+s20+$0x0] =	vst.idx.msk $0xffff, v0  }
0x146: {  	v1 =	vor.u32 s7, v24;
	v0 =	vld.idx.msk [tilespmem:v3+s11+$0x0], $0xffff  }
0x147: {  	[tilespmem:v2+s20+$0x0] =	vst.idx.msk $0xffff, v4  }
0x148: {  	[tilespmem:v46+s20+$0x0] =	vst.idx.msk $0xffff, v54;
	v2 =	vor.u32 s13, v24;
	v3 =	vld.idx.msk [tilespmem:v50+s11+$0x0], $0xffff  }
0x149: {  	[tilespmem:v7+s20+$0x0] =	vst.idx.msk $0xffff, v5  }
0x14a: {  	s10 =	sadd.s32 $0x20, s8;
	[tilespmem:v47+s20+$0x0] =	vst.idx.msk $0xffff, v6;
	v4 =	vld [tilespmem:s8+$0xFFFFFFF0]  }
0x14b: {  	v5 =	vld [tilespmem:s10+$0x0];
	[tilespmem:v1+s20+$0x0] =	vst.idx.msk $0xffff, v0;
	v0 =	vor.u32 s12, v13  }
0x14c: {  	v6 =	vld [tilespmem:s10+$0xFFFFFFF0];
	s8 =	sadd.s32 $0x20, s10  }
0x14d: {  	v1 =	vld [tilespmem:s8+$0x0];
	[tilespmem:v2+s20+$0x0] =	vst.idx.msk $0xffff, v3;
	v3 =	vor.u32 s6, v13  }
0x14e: {  	v32 =	vcvt.s32.f32 v55  }
0x14f: {  	v8 =	vor.u32 s7, v13;
	v4 =	vcvt.s32.f32 v4;
	v2 =	vld [tilespmem:s8+$0xFFFFFFF0]  }
0x150: {  	[tilespmem:v0+s20+$0x0] =	vst.idx.msk $0xffff, v32;
	v0 =	vcvt.s32.f32 v5  }
0x151: {  	v9 =	vor.u32 s13, v13;
	[tilespmem:v44+s20+$0x0] =	vst.idx.msk $0xffff, v4;
	v5 =	vcvt.s32.f32 v6  }
0x152: {  	v1 =	vcvt.s32.f32 v1;
	[tilespmem:v3+s20+$0x0] =	vst.idx.msk $0xffff, v0  }
0x153: {  	v39 =	vld [tilespmem:$0x1FF00];
	[tilespmem:v43+s20+$0x0] =	vst.idx.msk $0xffff, v5  }
0x154: {  	v2 =	vcvt.s32.f32 v2;
	v26 =	vld [tilespmem:$0x1FF50];
	[tilespmem:v8+s20+$0x0] =	vst.idx.msk $0xffff, v1  }
0x155: {  	v57 =	vld [tilespmem:$0x1FE20]  }
0x156: {  	v58 =	vld [tilespmem:$0x1FE30];
	[tilespmem:v9+s20+$0x0] =	vst.idx.msk $0xffff, v2  }
0x157: {  	v59 =	vld [tilespmem:$0x1FE40]  }
0x158: {  	v21 =	vld [tilespmem:$0x1FE50]  }
0x159: {  	v24 =	vld [tilespmem:$0x1FF70]  }
0x15a: {  	v56 =	vld [tilespmem:$0x1FE70]  }
0x15b: {  	s12 =	simm.s32 $0x0;
	v63 =	vld [tilespmem:$0x1FE60]  }
0x15c: {  	s6 =	sand.u32 $0x7, s12;
	v38 =	vld [tilespmem:$0x1FF60]  }
0x15d: {  	s14 =	sadd.s32 s5, s0;
	s24 =	sshll.u32 s6, $0xB;
	v55 =	vld [tilespmem:$0x1FE90]  }
0x15e: {  	s9 =	sand.u32 $0x7E000, s14;
	s10 =	sshll.u32 s14, $0x3;
	s8 =	sadd.s32 $0x0, s24;
	v51 =	vld [tilespmem:$0x1FEA0]  }
0x15f: {  	v31 =	vlaneseq.u32;
	s7 =	sshrl.u32 s14, $0x3;
	s10 =	sand.u32 $0x1800, s10;
	s8 =	sadd.s32 $0x4000, s8;
	v53 =	vld [tilespmem:$0x1FEC0]  }
0x160: {  	s7 =	sand.u32 $0x380, s7;
	s9 =	sor.u32 s9, s10;
	v14 =	vor.u32 s8, v17;
	v0 =	vor.u32 s8, v31;
	v25 =	vld [tilespmem:$0x1FEE0]  }
0x161: {  	p0 =	seq.s32 s2, $0x18;
	s7 =	sor.u32 s7, s9;
	v3 =	vor.u32 s8, v15;
	v4 =	vor.u32 s8, v39;
	v5 =	vor.u32 s8, v26  }
0x162: {  	s10 =	simm.s32 $0x0;
	s7 =	sshrl.u32 s7, $0x3;
	s6 =	sshll.u32 s6, $0x4;
	v1 =	vor.u32 s8, v57;
	v33 =	vor.u32 s8, v58;
	v2 =	vor.u32 s8, v59  }
0x163: {  	s9 =	sshll.u32 @!p0 s2, $0x8;
	s7 =	sadd.s32 s3, s7;
	s6 =	sor.u32 s10, s6;
	v40 =	vor.u32 s8, v21;
	v42 =	vor.u32 s8, v24;
	v43 =	vor.u32 s8, v56  }
0x164: {  	[hbm4b:s7+s15] =	stream.strided.scatter [tilespmem:s20], [sflag:$0x3], $0x4280, s21, s15, $0x38;
	v10 =	vor.u32 s8, v63;
	v11 =	vor.u32 s8, v38;
	v12 =	vor.u32 s8, v55;
	[tilespmem:$0x15400] =	vst v63  }
0x165: {  	s7 =	sadd.s32 $0x4400, s6;
	v52 =	vld [tilespmem:$0x1FF10];
	v44 =	vor.u32 s8, v51;
	v45 =	vor.u32 s8, v53;
	v16 =	vor.u32 s8, v25;
	s8 =	sand.u32 @!p0 $0x3FFFFF00, s9  }
0x166: {  	v14 =	vand.u32 $0x7F, v14;
	s9 =	simm.s32 @!p0 $0x4B00;
	s6 =	sadd.s32 @!p0 $0x100, s8;
	s8 =	simm.s32 @!p0 $0x80  }
0x167: {  	v3 =	vand.u32 $0x7FFFFF80, v3;
	v0 =	vand.u32 $0x7F, v0;
	v4 =	vand.u32 $0x7F, v4;
	[tilespmem:s9], [sflag:$0x1] =	stream.indirect.gather @!p0 [hbm4b:s1+s8], $0x80, s6, s8, $0xb8;
	[tilespmem:$0x15400] =	vst v63  }
0x168: {  	v0 =	vor.u32 v0, v3;
	v46 =	vor.u32 v14, v3;
	v4 =	vor.u32 v4, v3;
	_ =	swait.ge [sflag:s22], $0x4000  }
0x169: {  	p1 =	seq.s32 s2, $0x0;
	v5 =	vand.u32 $0x7F, v5;
	v1 =	vand.u32 $0x7F, v1;
	v6 =	vand.u32 $0x7F, v33;
	[sflag:s22] =	ssyncset.done $0x0  }
0x16a: {  	v29 =	vmovc v17;
	v17 =	vadd.s32 s7, v52;
	v5 =	vor.u32 v5, v3;
	v2 =	vand.u32 $0x7F, v2;
	s6 =	simm.s32 @!p1 $0x4;
	[sflag:s22] =	ssyncadd.s32 $0xFFFFC000  }
0x16b: {  	v7 =	vand.u32 $0x7F, v40;
	v8 =	vand.u32 $0x7F, v42;
	v9 =	vand.u32 $0x7F, v43;
	_ =	swait.ge @!p1 [sflag:s6], $0x4280  }
0x16c: {  	v10 =	vand.u32 $0x7F, v10;
	v11 =	vand.u32 $0x7F, v11;
	v13 =	vand.u32 $0x7F, v44;
	v54 =	vld [tilespmem:$0x1FE10];
	[sflag:s6] =	ssyncset.done @!p1 $0x0  }
0x16d: {  	v20 =	vmovc v15;
	v12 =	vand.u32 $0x7F, v12;
	v15 =	vand.u32 $0x7F, v45;
	v13 =	vor.u32 v13, v3;
	v18 =	vld [tilespmem:$0x1FEF0];
	[sflag:s6] =	ssyncadd.s32 @!p1 $0xFFFFBD80  }
0x16e: {  	v16 =	vand.u32 $0x7F, v16;
	v1 =	vor.u32 v1, v3;
	v6 =	vor.u32 v6, v3;
	v4 =	vld.idx.msk [tilespmem:v4+s16+$0x0], $0xffff;
	[tilespmem:$0x1FD10] =	vst v13  }
0x16f: {  	v2 =	vor.u32 v2, v3;
	v7 =	vor.u32 v7, v3;
	v8 =	vor.u32 v8, v3;
	v47 =	vld [tilespmem:$0x1FE80];
	[tilespmem:$0x1FD20] =	vst v46  }
0x170: {  	v9 =	vor.u32 v9, v3;
	v10 =	vor.u32 v10, v3;
	v11 =	vor.u32 v11, v3;
	v0 =	vld.idx.msk [tilespmem:v0+s16+$0x0], $0xffff  }
0x171: {  	v12 =	vor.u32 v12, v3;
	v15 =	vor.u32 v15, v3;
	v16 =	vor.u32 v16, v3;
	v3 =	vld.idx.msk [tilespmem:v5+s16+$0x0], $0xffff  }
0x172: {  	v43 =	vadd.s32 s7, v54;
	v48 =	vadd.s32 s7, v18;
	v18 =	vld [tilespmem:$0x1FEB0]  }
0x173: {  	s6 =	simm.s32 $0x1;
	v5 =	vld [tilespmem:$0x1FED0]  }
0x174: {  	s13 =	sand.u32 $0x7, s6;
	v2 =	vld.idx.msk [tilespmem:v2+s16+$0x0], $0xffff  }
0x175: {  	s14 =	sshll.u32 s13, $0xB;
	v7 =	vld.idx.msk [tilespmem:v7+s16+$0x0], $0xffff  }
0x176: {  	v50 =	vadd.s32 s7, v62;
	v8 =	vld.idx.msk [tilespmem:v8+s16+$0x0], $0xffff;
	s9 =	sadd.s32 $0x0, s14;
	[tilespmem:v17+s20+$0x0] =	vst.idx.msk $0xffff, v4  }
0x177: {  	v32 =	vadd.s32 s7, v27;
	v36 =	vadd.s32 s7, v34;
	s9 =	sadd.s32 $0x4000, s9;
	v49 =	vadd.s32 s7, v18;
	v18 =	vld [tilespmem:$0x1FF90];
	[tilespmem:v43+s20+$0x0] =	vst.idx.msk $0xffff, v0  }
0x178: {  	v13 =	vadd.s32 s7, v37;
	v4 =	vor.u32 s9, v20;
	v17 =	vor.u32 s9, v39;
	v0 =	vld [tilespmem:$0x1FF80]  }
0x179: {  	v9 =	vld.idx.msk [tilespmem:v9+s16+$0x0], $0xffff;
	v14 =	vadd.s32 s7, v47;
	v47 =	vand.u32 $0x7FFFFF80, v4;
	v4 =	vand.u32 $0x7F, v17  }
0x17a: {  	v10 =	vld.idx.msk [tilespmem:v10+s16+$0x0], $0xffff;
	v4 =	vor.u32 v4, v47;
	[tilespmem:v48+s20+$0x0] =	vst.idx.msk $0xffff, v3  }
0x17b: {  	v22 =	vmov v62;
	v62 =	vadd.s32 s7, v61;
	v11 =	vld.idx.msk [tilespmem:v11+s16+$0x0], $0xffff;
	[tilespmem:v50+s20+$0x0] =	vst.idx.msk $0xffff, v2  }
0x17c: {  	s24 =	simm.s32 $0x0;
	v61 =	vadd.s32 s7, v41;
	v45 =	vadd.s32 s7, v35;
	v46 =	vadd.s32 s7, v60;
	s8 =	sshll.u32 s13, $0x4;
	v12 =	vld.idx.msk [tilespmem:v12+s16+$0x0], $0xffff;
	[tilespmem:v32+s20+$0x0] =	vst.idx.msk $0xffff, v7  }
0x17d: {  	v6 =	vld.idx.msk [tilespmem:v6+s16+$0x0], $0xffff;
	v23 =	vmovc v5;
	v5 =	vadd.s32 s7, v5;
	[tilespmem:v36+s20+$0x0] =	vst.idx.msk $0xffff, v8;
	v44 =	vadd.s32 s7, v18;
	v43 =	vadd.s32 s7, v0;
	s7 =	sor.u32 s24, s8  }
0x17e: {  	v30 =	vmov v37;
	v1 =	vld.idx.msk [tilespmem:v1+s16+$0x0], $0xffff;
	[tilespmem:v13+s20+$0x0] =	vst.idx.msk $0xffff, v9;
	s7 =	sadd.s32 $0x4400, s7  }
0x17f: {  	v37 =	vmovc v38;
	v2 =	vor.u32 s9, v38;
	v38 =	vmov v52;
	[tilespmem:v14+s20+$0x0] =	vst.idx.msk $0xffff, v10;
	v4 =	vld.idx.msk [tilespmem:v4+s16+$0x0], $0xffff;
	v52 =	vadd.s32 s7, v52  }
0x180: {  	[tilespmem:v62+s20+$0x0] =	vst.idx.msk $0xffff, v11  }
0x181: {  	[tilespmem:v61+s20+$0x0] =	vst.idx.msk $0xffff, v12  }
0x182: {  	[tilespmem:v5+s20+$0x0] =	vst.idx.msk $0xffff, v6  }
0x183: {  	[tilespmem:v49+s20+$0x0] =	vst.idx.msk $0xffff, v1;
	v0 =	vor.u32 s9, v31  }
0x184: {  	v19 =	vmovc v20;
	v60 =	vor.u32 s9, v58;
	v3 =	vor.u32 s9, v26;
	v0 =	vand.u32 $0x7F, v0;
	[tilespmem:v52+s20+$0x0] =	vst.idx.msk $0xffff, v4  }
0x185: {  	v20 =	vmovc v58;
	v58 =	vor.u32 s9, v53;
	v36 =	vmovc v53;
	v53 =	vand.u32 $0x7F, v3;
	v3 =	vor.u32 v0, v47;
	v0 =	vld [tilespmem:$0x1FD10];
	_ =	sdelay $0x5  }
0x186: {  	v42 =	vmov v57;
	v17 =	vor.u32 s9, v57;
	v57 =	vor.u32 s9, v24  }
0x187: {  	v17 =	vand.u32 $0x7F, v17;
	v50 =	vor.u32 s9, v55;
	v7 =	vor.u32 s9, v51  }
0x188: {  	v28 =	vmovc v26;
	v26 =	vmovc v63;
	v8 =	vand.u32 $0x7F, v58;
	v6 =	vor.u32 s9, v63;
	v63 =	vand.u32 $0x7F, v60;
	v58 =	vld.idx.msk [tilespmem:v0+s16+$0x0], $0xffff  }
0x189: {  	v11 =	vand.u32 $0x7F, v57;
	v12 =	vand.u32 $0x7F, v2;
	v0 =	vor.u32 v63, v47;
	v63 =	vld [tilespmem:$0x1FD20]  }
0x18a: {  	v50 =	vand.u32 $0x7F, v50;
	v7 =	vand.u32 $0x7F, v7;
	v48 =	vor.u32 v8, v47  }
0x18b: {  	v32 =	vmovc v51;
	v5 =	vor.u32 s9, v56;
	v2 =	vor.u32 v53, v47;
	v51 =	vor.u32 v50, v47  }
0x18c: {  	v33 =	vmovc v55;
	v40 =	vmovc v39;
	v50 =	vor.u32 v7, v47;
	v5 =	vand.u32 $0x7F, v5;
	v6 =	vand.u32 $0x7F, v6  }
0x18d: {  	v39 =	vmovc v21;
	v18 =	vlaneseq.u32;
	v1 =	vor.u32 s9, v59;
	v49 =	vor.u32 s9, v21;
	v21 =	vmovc v24  }
0x18e: {  	v24 =	vmovc v56;
	v56 =	vor.u32 s9, v29;
	v55 =	vor.u32 v5, v47;
	v53 =	vor.u32 v6, v47;
	v31 =	vmovc v27  }
0x18f: {  	v27 =	vmovc v35;
	v35 =	vmovc v59;
	v59 =	vor.u32 s9, v25;
	v60 =	vand.u32 $0x7F, v1;
	v49 =	vand.u32 $0x7F, v49  }
0x190: {  	v1 =	vor.u32 v17, v47;
	v59 =	vand.u32 $0x7F, v59;
	v61 =	vor.u32 v60, v47;
	v60 =	vld.idx.msk [tilespmem:v15+s16+$0x0], $0xffff  }
0x191: {  	v41 =	vmovc v25;
	v25 =	vmovc v54;
	v57 =	vor.u32 v49, v47;
	v54 =	vadd.s32 s7, v54;
	v4 =	vand.u32 $0x7F, v56;
	v62 =	vld.idx.msk [tilespmem:v63+s16+$0x0], $0xffff  }
0x192: {  	s13 =	sor.u32 $0x80, s0;
	s8 =	simm.s32 $0x10;
	v56 =	vor.u32 v11, v47;
	v52 =	vor.u32 v12, v47;
	v49 =	vor.u32 v4, v47;
	v63 =	vld.idx.msk [tilespmem:v16+s16+$0x0], $0xffff  }
.LBB2_7:
0x193: {  	v3 =	vld.idx.msk [tilespmem:v3+s16+$0x0], $0xffff  }
0x194: {  	v4 =	vld [tilespmem:$0x1FEF0]  }
0x195: {  	v5 =	vld [tilespmem:$0x1FEB0]  }
0x196: {  	v2 =	vld.idx.msk [tilespmem:v2+s16+$0x0], $0xffff  }
0x197: {  	v12 =	vld [tilespmem:$0x1FE80]  }
0x198: {  	v13 =	vld [tilespmem:$0x1FFF0]  }
0x199: {  	v14 =	vld [tilespmem:$0x1FFE0]  }
0x19a: {  	v15 =	vld [tilespmem:$0x1FFD0]  }
0x19b: {  	s8 =	sadd.s32 $0x10, s8;
	v6 =	vor.u32 v59, v47;
	s6 =	sadd.s32 $0x1, s6;
	v16 =	vld [tilespmem:$0x1FF90]  }
0x19c: {  	v7 =	vadd.s32 s7, v23;
	v8 =	vadd.s32 s7, v22;
	v9 =	vadd.s32 s7, v31;
	v1 =	vld.idx.msk [tilespmem:v1+s16+$0x0], $0xffff;
	s9 =	sshrl.u32 s8, $0x7;
	s10 =	sand.u32 $0x7, s6  }
0x19d: {  	v10 =	vadd.s32 s7, v34;
	v11 =	vadd.s32 s7, v30;
	v0 =	vld.idx.msk [tilespmem:v0+s16+$0x0], $0xffff;
	s14 =	sshll.u32 s9, $0x4;
	s24 =	sshll.u32 s10, $0xB;
	[tilespmem:v45+s20+$0x0] =	vst.idx.msk $0xffff, v62;
	v45 =	vadd.s32 s7, v27  }
0x19e: {  	[tilespmem:v46+s20+$0x0] =	vst.idx.msk $0xffff, v58;
	v57 =	vld.idx.msk [tilespmem:v57+s16+$0x0], $0xffff;
	s14 =	sadd.s32 s14, s24;
	v4 =	vadd.s32 s7, v4;
	v5 =	vadd.s32 s7, v5;
	v12 =	vadd.s32 s7, v12  }
0x19f: {  	[tilespmem:v44+s20+$0x0] =	vst.idx.msk $0xffff, v60;
	s14 =	sadd.s32 $0x4000, s14;
	v13 =	vadd.s32 s7, v13;
	v14 =	vadd.s32 s7, v14;
	v46 =	vadd.s32 s7, v15;
	v15 =	vld.idx.msk [tilespmem:v61+s16+$0x0], $0xffff  }
0x1a0: {  	[tilespmem:v43+s20+$0x0] =	vst.idx.msk $0xffff, v63;
	v44 =	vadd.s32 s7, v16;
	v16 =	vld [tilespmem:$0x1FF80];
	v17 =	vor.u32 s14, v19;
	v63 =	vor.u32 s14, v40  }
0x1a1: {  	[tilespmem:v54+s20+$0x0] =	vst.idx.msk $0xffff, v3;
	v3 =	vld.idx.msk [tilespmem:v56+s16+$0x0], $0xffff;
	v54 =	vor.u32 s14, v42;
	v56 =	vor.u32 s14, v20;
	v60 =	vor.u32 s14, v21  }
0x1a2: {  	v61 =	vor.u32 s14, v37;
	[tilespmem:v7+s20+$0x0] =	vst.idx.msk $0xffff, v0;
	v0 =	vld.idx.msk [tilespmem:v52+s16+$0x0], $0xffff;
	v7 =	vor.u32 s14, v33;
	v52 =	vor.u32 s14, v32  }
0x1a3: {  	v47 =	vand.u32 $0x7FFFFF80, v17;
	v17 =	vor.u32 s14, v28;
	v58 =	vand.u32 $0x7F, v63  }
0x1a4: {  	[tilespmem:v9+s20+$0x0] =	vst.idx.msk $0xffff, v57;
	v7 =	vand.u32 $0x7F, v7;
	v59 =	vor.u32 v58, v47;
	v9 =	vand.u32 $0x7F, v17  }
0x1a5: {  	v58 =	vld.idx.msk [tilespmem:v50+s16+$0x0], $0xffff;
	v17 =	vand.u32 $0x7F, v54;
	v50 =	vand.u32 $0x7F, v56;
	v43 =	vadd.s32 s7, v16;
	[tilespmem:v4+s20+$0x0] =	vst.idx.msk $0xffff, v2  }
0x1a6: {  	v16 =	vor.u32 s14, v18;
	v2 =	vld.idx.msk [tilespmem:v55+s16+$0x0], $0xffff;
	v4 =	vor.u32 s14, v35;
	v55 =	vor.u32 s14, v39;
	[tilespmem:v5+s20+$0x0] =	vst.idx.msk $0xffff, v1  }
0x1a7: {  	v1 =	vld.idx.msk [tilespmem:v53+s16+$0x0], $0xffff;
	v5 =	vor.u32 s14, v24;
	v53 =	vor.u32 s14, v26;
	v18 =	vor.u32 s14, v29;
	[tilespmem:v8+s20+$0x0] =	vst.idx.msk $0xffff, v15  }
0x1a8: {  	s9 =	sshll.u32 s9, $0xB;
	s24 =	sshll.u32 s10, $0x4;
	v8 =	vld.idx.msk [tilespmem:v51+s16+$0x0], $0xffff;
	v51 =	vor.u32 s14, v41;
	[tilespmem:v13+s20+$0x0] =	vst.idx.msk $0xffff, v0;
	v0 =	vor.u32 v50, v47;
	v15 =	vand.u32 $0x7F, v16  }
0x1a9: {  	v62 =	vld.idx.msk [tilespmem:v49+s16+$0x0], $0xffff;
	s7 =	sor.u32 s9, s24;
	[tilespmem:v10+s20+$0x0] =	vst.idx.msk $0xffff, v3;
	v16 =	vor.u32 s14, v36;
	v4 =	vand.u32 $0x7F, v4;
	v10 =	vand.u32 $0x7F, v55  }
0x1aa: {  	v63 =	vld.idx.msk [tilespmem:v6+s16+$0x0], $0xffff;
	s7 =	sadd.s32 $0x4400, s7;
	v5 =	vand.u32 $0x7F, v5;
	v49 =	vand.u32 $0x7F, v53;
	v6 =	vand.u32 $0x7F, v18  }
0x1ab: {  	v18 =	vlaneseq.u32;
	v56 =	vld.idx.msk [tilespmem:v59+s16+$0x0], $0xffff;
	v55 =	vadd.s32 s7, v38;
	v3 =	vor.u32 v15, v47  }
0x1ac: {  	p1 =	slt.u32 s8, $0x3F0;
	v13 =	vand.u32 $0x7F, v16;
	v57 =	vor.u32 v10, v47;
	v53 =	vor.u32 v49, v47;
	[tilespmem:v11+s20+$0x0] =	vst.idx.msk $0xffff, v2  }
.Ltmp4:
0x1ad: {  	v59 =	vand.u32 $0x7F, v51;
	v51 =	vor.u32 v7, v47;
	v49 =	vor.u32 v6, v47;
	[tilespmem:v12+s20+$0x0] =	vst.idx.msk $0xffff, v1;
	(pc) =	sbr.rel @p1 .LBB2_7-.Ltmp4, $4  }
0x1ae: {  	v11 =	vand.u32 $0x7F, v60;
	v60 =	vld.idx.msk [tilespmem:v48+s16+$0x0], $0xffff;
	v12 =	vand.u32 $0x7F, v61;
	v48 =	vand.u32 $0x7F, v52;
	[tilespmem:v14+s20+$0x0] =	vst.idx.msk $0xffff, v8  }
0x1af: {  	v2 =	vor.u32 v9, v47;
	v1 =	vor.u32 v17, v47;
	v61 =	vor.u32 v4, v47  }
0x1b0: {  	v52 =	vor.u32 v12, v47;
	v50 =	vor.u32 v48, v47;
	v48 =	vor.u32 v13, v47  }
0x1b1: {  	v54 =	vadd.s32 s7, v25;
	[tilespmem:v55+s20+$0x0] =	vst.idx.msk $0xffff, v56;
	v56 =	vor.u32 v11, v47;
	v55 =	vor.u32 v5, v47  }
0x1b2: {  	_ =	sdelay $0x3  }
0x1b3: {  	v25 =	vld [tilespmem:$0x1FEF0];
	[tilespmem:v46+s20+$0x0] =	vst.idx.msk $0xffff, v58  }
0x1b4: {  	v18 =	vmov v28;
	v28 =	vld [tilespmem:$0x1FEB0];
	_ =	sdelay $0x2  }
0x1b5: {  	v3 =	vld.idx.msk [tilespmem:v3+s16+$0x0], $0xffff  }
0x1b6: {  	v2 =	vld.idx.msk [tilespmem:v2+s16+$0x0], $0xffff;
	v4 =	vadd.s32 s7, v25  }
0x1b7: {  	v1 =	vld.idx.msk [tilespmem:v1+s16+$0x0], $0xffff;
	[tilespmem:v45+s20+$0x0] =	vst.idx.msk $0xffff, v62;
	v5 =	vadd.s32 s7, v28  }
0x1b8: {  	[tilespmem:v44+s20+$0x0] =	vst.idx.msk $0xffff, v60  }
0x1b9: {  	[tilespmem:v43+s20+$0x0] =	vst.idx.msk $0xffff, v63  }
0x1ba: {  	[tilespmem:v54+s20+$0x0] =	vst.idx.msk $0xffff, v3  }
0x1bb: {  	[tilespmem:v4+s20+$0x0] =	vst.idx.msk $0xffff, v2  }
0x1bc: {  	v0 =	vld.idx.msk [tilespmem:v0+s16+$0x0], $0xffff;
	[tilespmem:v5+s20+$0x0] =	vst.idx.msk $0xffff, v1  }
0x1bd: {  	v6 =	vadd.s32 s7, v23;
	v1 =	vld [tilespmem:$0x1FE80]  }
0x1be: {  	v7 =	vadd.s32 s7, v22;
	v8 =	vld.idx.msk [tilespmem:v61+s16+$0x0], $0xffff  }
0x1bf: {  	v9 =	vadd.s32 s7, v31;
	v10 =	vld.idx.msk [tilespmem:v57+s16+$0x0], $0xffff  }
0x1c0: {  	v11 =	vld.idx.msk [tilespmem:v56+s16+$0x0], $0xffff;
	v3 =	vadd.s32 s7, v34  }
0x1c1: {  	v2 =	vadd.s32 s7, v30;
	v4 =	vld.idx.msk [tilespmem:v55+s16+$0x0], $0xffff  }
0x1c2: {  	v5 =	vld.idx.msk [tilespmem:v53+s16+$0x0], $0xffff;
	[tilespmem:v6+s20+$0x0] =	vst.idx.msk $0xffff, v0;
	v1 =	vadd.s32 s7, v1  }
0x1c3: {  	v29 =	vld [tilespmem:$0x1FFF0];
	[tilespmem:v7+s20+$0x0] =	vst.idx.msk $0xffff, v8  }
0x1c4: {  	v36 =	vld [tilespmem:$0x1FFE0];
	[tilespmem:v9+s20+$0x0] =	vst.idx.msk $0xffff, v10  }
0x1c5: {  	v17 =	vmov v37;
	v37 =	vmov v22;
	v22 =	vmov v30;
	v30 =	vld [tilespmem:$0x1FFD0];
	[tilespmem:v3+s20+$0x0] =	vst.idx.msk $0xffff, v11  }
0x1c6: {  	v12 =	vld.idx.msk [tilespmem:v52+s16+$0x0], $0xffff;
	[tilespmem:v2+s20+$0x0] =	vst.idx.msk $0xffff, v4  }
0x1c7: {  	v4 =	vld [tilespmem:$0x1FF90];
	[tilespmem:v1+s20+$0x0] =	vst.idx.msk $0xffff, v5  }
0x1c8: {  	v0 =	vor.u32 v59, v47;
	v58 =	vadd.s32 s7, v29;
	v5 =	vld [tilespmem:$0x1FF80]  }
0x1c9: {  	v3 =	vadd.s32 s7, v27;
	v2 =	vld.idx.msk [tilespmem:v49+s16+$0x0], $0xffff  }
0x1ca: {  	v8 =	vld.idx.msk [tilespmem:v51+s16+$0x0], $0xffff;
	v59 =	vadd.s32 s7, v36  }
0x1cb: {  	v10 =	vld.idx.msk [tilespmem:v50+s16+$0x0], $0xffff;
	v9 =	vadd.s32 s7, v30  }
0x1cc: {  	v4 =	vadd.s32 s7, v4;
	v1 =	vld.idx.msk [tilespmem:v48+s16+$0x0], $0xffff  }
0x1cd: {  	v0 =	vld.idx.msk [tilespmem:v0+s16+$0x0], $0xffff;
	[tilespmem:v58+s20+$0x0] =	vst.idx.msk $0xffff, v12;
	v5 =	vadd.s32 s7, v5  }
0x1ce: {  	[tilespmem:v3+s20+$0x0] =	vst.idx.msk $0xffff, v2  }
0x1cf: {  	[tilespmem:v59+s20+$0x0] =	vst.idx.msk $0xffff, v8  }
0x1d0: {  	[tilespmem:v9+s20+$0x0] =	vst.idx.msk $0xffff, v10  }
0x1d1: {  	[tilespmem:v4+s20+$0x0] =	vst.idx.msk $0xffff, v1  }
0x1d2: {  	[tilespmem:v5+s20+$0x0] =	vst.idx.msk $0xffff, v0  }
0x1d3: {  	v0 =	vld [tilespmem:s31+$0x0];
	_ =	sdelay $0x4  }
0x1d4: {  	v24 =	vld [tilespmem:$0x1FF20];
	v0 =	vshll.u32 v0, $0x2;
	_ =	sdelay $0x3  }
0x1d5: {  	s6 =	simm.s32 $0x10;
	v1 =	vld [tilespmem:s31+$0xFFFFFFF0]  }
0x1d6: {  	v3 =	vor.u32 s6, v24;
	v2 =	vld.idx.msk [tilespmem:v0+s11+$0x0], $0xffff;
	_ =	sdelay $0x4  }
0x1d7: {  	v1 =	vshll.u32 v1, $0x2;
	[tilespmem:v3+s20+$0x0] =	vst.idx.msk $0xffff, v2  }
0x1d8: {  	v4 =	vor.u32 $0x1, v0;
	v38 =	vld [tilespmem:$0x1FF30];
	_ =	sdelay $0x1  }
0x1d9: {  	s8 =	sadd.s32 $0x20, s31  }
0x1da: {  	v5 =	vld [tilespmem:s8+$0x0]  }
0x1db: {  	v60 =	vor.u32 s12, v24;
	v6 =	vld.idx.msk [tilespmem:v1+s11+$0x0], $0xffff  }
0x1dc: {  	v2 =	vld.idx.msk [tilespmem:v4+s11+$0x0], $0xffff;
	v3 =	vor.u32 s6, v38;
	_ =	sdelay $0x3  }
0x1dd: {  	v9 =	vor.u32 $0x1, v1;
	[tilespmem:v60+s20+$0x0] =	vst.idx.msk $0xffff, v6  }
0x1de: {  	v8 =	vld [tilespmem:s8+$0xFFFFFFF0];
	v45 =	vshll.u32 v5, $0x2;
	[tilespmem:v3+s20+$0x0] =	vst.idx.msk $0xffff, v2  }
0x1df: {  	v4 =	vor.u32 $0x2, v0;
	v40 =	vld [tilespmem:$0x1FF40];
	_ =	sdelay $0x2  }
0x1e0: {  	s7 =	simm.s32 $0x30;
	v7 =	vld.idx.msk [tilespmem:v9+s11+$0x0], $0xffff;
	v61 =	vor.u32 s12, v38  }
0x1e1: {  	v9 =	vld.idx.msk [tilespmem:v45+s11+$0x0], $0xffff;
	v3 =	vor.u32 s7, v24  }
0x1e2: {  	s8 =	sadd.s32 $0x20, s8;
	v5 =	vshll.u32 v8, $0x2;
	v2 =	vld.idx.msk [tilespmem:v4+s11+$0x0], $0xffff;
	v10 =	vor.u32 s6, v40  }
0x1e3: {  	v11 =	vld [tilespmem:s8+$0x0]  }
0x1e4: {  	v8 =	vor.u32 $0x2, v1  }
0x1e5: {  	v4 =	vor.u32 $0x1, v45;
	[tilespmem:v61+s20+$0x0] =	vst.idx.msk $0xffff, v7  }
0x1e6: {  	v62 =	vld [tilespmem:s8+$0xFFFFFFF0];
	v0 =	vor.u32 $0x3, v0;
	[tilespmem:v3+s20+$0x0] =	vst.idx.msk $0xffff, v9  }
0x1e7: {  	s9 =	simm.s32 $0x20;
	v12 =	vld.idx.msk [tilespmem:v5+s11+$0x0], $0xffff;
	[tilespmem:v10+s20+$0x0] =	vst.idx.msk $0xffff, v2  }
0x1e8: {  	v13 =	vor.u32 s9, v24;
	v53 =	vshll.u32 v11, $0x2;
	v15 =	vld [tilespmem:$0x1FDF0]  }
0x1e9: {  	v14 =	vor.u32 $0x1, v5;
	v8 =	vld.idx.msk [tilespmem:v8+s11+$0x0], $0xffff;
	v63 =	vor.u32 s12, v40  }
0x1ea: {  	v1 =	vor.u32 $0x3, v1;
	v3 =	vld.idx.msk [tilespmem:v4+s11+$0x0], $0xffff  }
0x1eb: {  	v6 =	vshll.u32 v62, $0x2;
	v4 =	vld.idx.msk [tilespmem:v0+s11+$0x0], $0xffff  }
0x1ec: {  	v2 =	vor.u32 s7, v38;
	v20 =	vld [tilespmem:$0x1FE00]  }
0x1ed: {  	v9 =	vor.u32 $0x2, v45;
	[tilespmem:v13+s20+$0x0] =	vst.idx.msk $0xffff, v12;
	v0 =	vld.idx.msk [tilespmem:v53+s11+$0x0], $0xffff;
	v10 =	vor.u32 s6, v15  }
0x1ee: {  	v52 =	vor.u32 $0x2, v5;
	v49 =	vor.u32 $0x3, v5;
	[tilespmem:v63+s20+$0x0] =	vst.idx.msk $0xffff, v8;
	v12 =	vld.idx.msk [tilespmem:v14+s11+$0x0], $0xffff  }
0x1ef: {  	v54 =	vor.u32 $0x1, v6;
	v57 =	vor.u32 $0x2, v6;
	v11 =	vor.u32 s9, v38;
	v58 =	vld.idx.msk [tilespmem:v1+s11+$0x0], $0xffff  }
0x1f0: {  	s10 =	simm.s32 $0x50;
	v51 =	vor.u32 $0x3, v6;
	v50 =	vor.u32 s9, v40;
	v63 =	vor.u32 $0x1, v53;
	v1 =	vld.idx.msk [tilespmem:v6+s11+$0x0], $0xffff  }
0x1f1: {  	v16 =	vmovc v27;
	[tilespmem:v2+s20+$0x0] =	vst.idx.msk $0xffff, v3;
	v3 =	vor.u32 s10, v24;
	v2 =	vor.u32 s7, v40;
	v47 =	vor.u32 s12, v15  }
0x1f2: {  	v41 =	vmovc v31;
	v43 =	vor.u32 s12, v20;
	v48 =	vor.u32 s9, v15;
	v44 =	vor.u32 s9, v20;
	s12 =	simm.s32 $0x40;
	v62 =	vld.idx.msk [tilespmem:v9+s11+$0x0], $0xffff;
	[tilespmem:v10+s20+$0x0] =	vst.idx.msk $0xffff, v4  }
0x1f3: {  	v26 =	vmovc v34;
	v13 =	vmovc v29;
	v60 =	vor.u32 s12, v24;
	v55 =	vor.u32 s12, v38;
	v56 =	vor.u32 s12, v40;
	v59 =	vld [tilespmem:s30+$0x0]  }
0x1f4: {  	s14 =	sadd.s32 $0x20, s8;
	s8 =	smov.u32 s30;
	s9 =	simm.s32 $0x4;
	v61 =	vor.u32 s12, v15;
	v46 =	vor.u32 s12, v20;
	[tilespmem:v11+s20+$0x0] =	vst.idx.msk $0xffff, v12;
	v11 =	vmovc v25;
	v25 =	vmovc v22;
	v10 =	vmov v23  }
.LBB2_9:
0x1f5: {  	v4 =	vld [tilespmem:s14+$0x0];
	v5 =	vor.u32 $0x3, v45;
	v6 =	vor.u32 s6, v20;
	v45 =	vmov v53;
	s6 =	smov.u32 s7;
	s7 =	smov.u32 s10  }
0x1f6: {  	v7 =	vld [tilespmem:s14+$0xFFFFFFF0];
	[tilespmem:v47+s20+$0x0] =	vst.idx.msk $0xffff, v58;
	v47 =	vmov v48;
	v48 =	vmov v61  }
0x1f7: {  	s9 =	sadd.s32 $0x2, s9;
	v8 =	vld.idx.msk [tilespmem:v52+s11+$0x0], $0xffff;
	v52 =	vmov v57  }
0x1f8: {  	p1 =	slt.u32 s9, $0x6;
	[tilespmem:v3+s20+$0x0] =	vst.idx.msk $0xffff, v0;
	v0 =	vld [tilespmem:s8+$0xFFFFFFF0];
	v3 =	vcvt.s32.f32 v59  }
0x1f9: {  	v9 =	vld.idx.msk [tilespmem:v63+s11+$0x0], $0xffff;
	[tilespmem:v2+s20+$0x0] =	vst.idx.msk $0xffff, v62  }
0x1fa: {  	v2 =	vor.u32 s7, v38;
	v53 =	vshll.u32 v4, $0x2;
	v4 =	vld.idx.msk [tilespmem:v5+s11+$0x0], $0xffff;
	[tilespmem:v6+s20+$0x0] =	vst.idx.msk $0xffff, v3  }
0x1fb: {  	v3 =	vor.u32 s6, v15;
	v5 =	vshll.u32 v7, $0x2;
	[tilespmem:v60+s20+$0x0] =	vst.idx.msk $0xffff, v1;
	v1 =	vor.u32 $0x2, v45  }
0x1fc: {  	v57 =	vor.u32 $0x2, v5;
	v6 =	vor.u32 $0x3, v5;
	v7 =	vld.idx.msk [tilespmem:v54+s11+$0x0], $0xffff;
	v54 =	vor.u32 $0x1, v5  }
0x1fd: {  	[tilespmem:v50+s20+$0x0] =	vst.idx.msk $0xffff, v8;
	v8 =	vcvt.s32.f32 v0;
	v50 =	vmov v56  }
.Ltmp5:
0x1fe: {  	v58 =	vld.idx.msk [tilespmem:v49+s11+$0x0], $0xffff;
	v49 =	vmov v51;
	v51 =	vmov v6;
	(pc) =	sbr.rel @p1 .LBB2_9-.Ltmp5, $4  }
0x1ff: {  	s12 =	sadd.s32 $0x20, s12;
	v0 =	vld.idx.msk [tilespmem:v53+s11+$0x0], $0xffff;
	[tilespmem:v2+s20+$0x0] =	vst.idx.msk $0xffff, v9  }
0x200: {  	s10 =	sadd.s32 $0x10, s12;
	s8 =	sadd.s32 $0x20, s8;
	v60 =	vor.u32 s12, v24;
	v56 =	vor.u32 s12, v40;
	v6 =	vor.u32 s12, v38;
	v62 =	vld.idx.msk [tilespmem:v1+s11+$0x0], $0xffff;
	[tilespmem:v3+s20+$0x0] =	vst.idx.msk $0xffff, v4  }
0x201: {  	v61 =	vor.u32 s12, v15;
	v3 =	vor.u32 s10, v24;
	v59 =	vld [tilespmem:s8+$0x0];
	[tilespmem:v43+s20+$0x0] =	vst.idx.msk $0xffff, v8;
	v43 =	vmovc v44;
	v44 =	vmovc v46;
	v46 =	vor.u32 s12, v20  }
0x202: {  	s14 =	sadd.s32 $0x20, s14;
	v63 =	vor.u32 $0x1, v53;
	v2 =	vor.u32 s7, v40;
	v1 =	vld.idx.msk [tilespmem:v5+s11+$0x0], $0xffff;
	[tilespmem:v55+s20+$0x0] =	vst.idx.msk $0xffff, v7;
	v55 =	vmov v6  }
0x203: {  	_ =	sdelay $0x3  }
0x204: {  	[tilespmem:v3+s20+$0x0] =	vst.idx.msk $0xffff, v0  }
0x205: {  	v39 =	vor.u32 s10, v38;
	v0 =	vld.idx.msk [tilespmem:v63+s11+$0x0], $0xffff;
	[tilespmem:v60+s20+$0x0] =	vst.idx.msk $0xffff, v1  }
0x206: {  	v42 =	vor.u32 $0x2, v53;
	v4 =	vld.idx.msk [tilespmem:v54+s11+$0x0], $0xffff;
	_ =	sdelay $0x2  }
0x207: {  	v5 =	vor.u32 $0x3, v45  }
0x208: {  	v6 =	vld.idx.msk [tilespmem:v52+s11+$0x0], $0xffff;
	[tilespmem:v39+s20+$0x0] =	vst.idx.msk $0xffff, v0  }
0x209: {  	v45 =	vor.u32 s10, v40;
	v0 =	vld.idx.msk [tilespmem:v42+s11+$0x0], $0xffff;
	[tilespmem:v55+s20+$0x0] =	vst.idx.msk $0xffff, v4  }
0x20a: {  	v52 =	vor.u32 $0x3, v53;
	v4 =	vld.idx.msk [tilespmem:v57+s11+$0x0], $0xffff  }
0x20b: {  	[tilespmem:v2+s20+$0x0] =	vst.idx.msk $0xffff, v62  }
0x20c: {  	v53 =	vor.u32 s7, v15;
	v2 =	vld.idx.msk [tilespmem:v5+s11+$0x0], $0xffff  }
0x20d: {  	[tilespmem:v50+s20+$0x0] =	vst.idx.msk $0xffff, v6  }
0x20e: {  	v6 =	vld.idx.msk [tilespmem:v49+s11+$0x0], $0xffff;
	[tilespmem:v45+s20+$0x0] =	vst.idx.msk $0xffff, v0  }
0x20f: {  	v54 =	vor.u32 s10, v15;
	v0 =	vld.idx.msk [tilespmem:v52+s11+$0x0], $0xffff;
	[tilespmem:v56+s20+$0x0] =	vst.idx.msk $0xffff, v4  }
0x210: {  	v55 =	vld.idx.msk [tilespmem:v51+s11+$0x0], $0xffff  }
0x211: {  	s9 =	sadd.s32 $0x20, s8;
	[tilespmem:v53+s20+$0x0] =	vst.idx.msk $0xffff, v2  }
0x212: {  	[tilespmem:v47+s20+$0x0] =	vst.idx.msk $0xffff, v58;
	v5 =	vld [tilespmem:s9+$0x0]  }
0x213: {  	v57 =	vor.u32 s6, v20;
	[tilespmem:v48+s20+$0x0] =	vst.idx.msk $0xffff, v6;
	v56 =	vld [tilespmem:s8+$0xFFFFFFF0]  }
0x214: {  	v58 =	vor.u32 s7, v20;
	s12 =	sadd.s32 $0x20, s9;
	v6 =	vld [tilespmem:s9+$0xFFFFFFF0];
	[tilespmem:v54+s20+$0x0] =	vst.idx.msk $0xffff, v0  }
0x215: {  	v1 =	vld [tilespmem:s12+$0x0];
	[tilespmem:v61+s20+$0x0] =	vst.idx.msk $0xffff, v55  }
0x216: {  	v59 =	vcvt.s32.f32 v59;
	v7 =	vld [tilespmem:s12+$0xFFFFFFF0]  }
0x217: {  	v8 =	vor.u32 s10, v20;
	v60 =	vcvt.s32.f32 v5  }
0x218: {  	[tilespmem:v57+s20+$0x0] =	vst.idx.msk $0xffff, v59;
	v4 =	vcvt.s32.f32 v56  }
0x219: {  	[tilespmem:v58+s20+$0x0] =	vst.idx.msk $0xffff, v60;
	v61 =	vcvt.s32.f32 v6  }
0x21a: {  	[tilespmem:v43+s20+$0x0] =	vst.idx.msk $0xffff, v4;
	v62 =	vcvt.s32.f32 v1  }
0x21b: {  	[tilespmem:v44+s20+$0x0] =	vst.idx.msk $0xffff, v61;
	v63 =	vcvt.s32.f32 v7  }
0x21c: {  	[tilespmem:v8+s20+$0x0] =	vst.idx.msk $0xffff, v62  }
0x21d: {  	[tilespmem:v46+s20+$0x0] =	vst.idx.msk $0xffff, v63  }
0x21e: {  	v15 =	vld [tilespmem:$0x1FFA0]  }
0x21f: {  	v8 =	vld [tilespmem:$0x1FE10]  }
0x220: {  	v34 =	vld [tilespmem:$0x1FE20]  }
0x221: {  	s13 =	sadd.s32 s5, s13;
	v42 =	vld [tilespmem:$0x1FE30]  }
0x222: {  	s14 =	sshll.u32 s13, $0x3;
	v27 =	vld [tilespmem:$0x1FE40]  }
0x223: {  	s24 =	sand.u32 $0x7E000, s13;
	s7 =	sand.u32 $0x1C00, s14;
	s6 =	sshrl.u32 s13, $0x3;
	v23 =	vld [tilespmem:$0x1FE50]  }
.Ltmp6:
0x224: {  	s7 =	sor.u32 s24, s7;
	s6 =	sand.u32 $0x380, s6;
	v29 =	vld [tilespmem:$0x1FE60];
	(pc) =	sbr.rel @p0 .LBB2_12-.Ltmp6, $4  }
0x225: {  	s6 =	sor.u32 s6, s7;
	v33 =	vld [tilespmem:$0x1FE70]  }
0x226: {  	s6 =	sshrl.u32 s6, $0x3;
	v22 =	vld [tilespmem:$0x1FEA0]  }
0x227: {  	v14 =	vmov v21;
	v21 =	vmov v17;
	s6 =	sadd.s32 s3, s6;
	v17 =	vld [tilespmem:$0x1FFB0]  }
0x228: {  	[hbm4b:s6+s15] =	stream.strided.scatter [tilespmem:s23], [sflag:$0x4], $0x4280, s21, s15, $0x38;
	v63 =	vmov v18;
	v18 =	vld [tilespmem:$0x1FE90]  }
0x229: {  	v20 =	vld [tilespmem:$0x1FE80]  }
0x22a: {  	v5 =	vld [tilespmem:$0x1FEC0]  }
.Ltmp7:
0x22b: {  	v9 =	vmov v16;
	v16 =	vld [tilespmem:$0x1FF90];
	(pc) =	sbr.rel .LBB2_2-.Ltmp7, $4  }
0x22c: {  	s0 =	sand.u32 $0x3FFFFF00, s0;
	v4 =	vld [tilespmem:$0x1FEE0]  }
0x22d: {  	s2 =	sadd.s32 $0x1, s2;
	s28 =	sadd.s32 $0x100, s28;
	s29 =	sadd.s32 $0x100, s29;
	v12 =	vld [tilespmem:$0x1FF80]  }
0x22e: {  	s30 =	sadd.s32 $0x100, s30;
	s31 =	sadd.s32 $0x100, s31;
	v6 =	vld [tilespmem:$0x1FF00];
	s0 =	sadd.s32 $0x180, s0  }
0x22f: {  	v7 =	vld [tilespmem:$0x1FF10];
	[tilespmem:s17], [sflag:$0x2] =	stream.indirect.gather [hbm4b:s1+s15], $0x80, s0, s15, $0xb8  }
.LBB2_13:
0x230: {  	_ =	sfence.sel $0x180000  }
0x231: {  	[bflag:$0x0] =	sbarrier.arrive $0xFFFF  }
0x232: {  	_ =	strace $0x90000047  }
0x233: {  	s0 =	stileid.u32;
	[bflag:$0x2] =	sbarrier.arrive $0xFFFF  }
0x234: {  	p0 =	sne.s32 s0, $0x0;
	s0 =	rddreg [dreg:$0x3]  }
0x235: {  	s0 =	sadd.s32 @!p0 $0x100000, s0  }
0x236: {  	[sflag:s0] =	ssyncadd.tile.s32 @!p0 $0x1;
	_ =	shalt  }
.Lfunc_end2:
_tile_overlayer_lowered:
.L_overlay_start_2:
0x237: {  	(tag) =	ssettag $0x2  }
0x238: {  	s0 =	rddreg [dreg:$0x0];
	s2 =	stileid.u32  }
0x239: {  	s1 =	rddreg [dreg:$0x1];
	p0 =	sne.s32 s2, $0x0  }
0x23a: {  	s3 =	rddreg [dreg:$0x2];
	[bflag:$0x3] =	sbarrier.arrive $0xFFFF;
	s2 =	simm.s32 @!p0 $0x1C07  }
0x23b: {  	[timem:s3], [sflag:s2] =	dma.local @!p0 [hbm:s0], s1  }
0x23c: {  	s0 =	simm.s32 @!p0 $0x7  }
0x23d: {  	_ =	swait.ge @!p0 [sflag:s0], s1  }
0x23e: {  	s1 =	ssub.s32 @!p0 $0x0, s1;
	[sflag:s0] =	ssyncset.done @!p0 $0x0  }
0x23f: {  	[sflag:s0] =	ssyncadd.s32 @!p0 s1  }
0x240: {  	[bflag:$0x3] =	sbarrier.arrive $0xFFFF  }
0x241: {  	_ =	shalt  }

</sc_bundles>
